<compile_context>
chip_gen: v7x
topology: tpu7x:2x2x1
jax: 0.10.2.dev20260603
libtpu: 0.0.44.dev20260713+nightly
codegen_flags: <defaults>
</compile_context>

<pallas_src>
import functools

import jax
import jax.numpy as jnp
from jax import lax
from jax.experimental import pallas as pl
from jax.experimental.pallas import tpu as pltpu
from jax.experimental.pallas import tpu_sc as plsc

B = 16384
D = 256
NC = 2
NS = 16
NW = NC * NS
BPW = B // NW
CHUNK = 64
NCHUNK = BPW // CHUNK
NBUF = 6

_mesh = plsc.VectorSubcoreMesh(core_axis_name="c", subcore_axis_name="s")


@functools.partial(
    pl.kernel,
    mesh=_mesh,
    out_type=jax.ShapeDtypeStruct((B, D), jnp.float32),
    scratch_types=[
        pltpu.VMEM((NCHUNK, CHUNK), jnp.int32),
        pltpu.VMEM((CHUNK, D), jnp.float32),
        pltpu.VMEM((CHUNK, D), jnp.float32),
        pltpu.VMEM((CHUNK, D), jnp.float32),
        pltpu.VMEM((CHUNK, D), jnp.float32),
        pltpu.VMEM((CHUNK, D), jnp.float32),
        pltpu.VMEM((CHUNK, D), jnp.float32),
        pltpu.SemaphoreType.DMA,
        pltpu.SemaphoreType.DMA,
    ],
)
def _gather_kernel(
    t_hbm, w_hbm, out_hbm, idx_v, buf0, buf1, buf2, buf3, buf4, buf5, gsem, wsem
):
    wid = lax.axis_index("s") * NC + lax.axis_index("c")
    base = wid * BPW
    pltpu.sync_copy(t_hbm.at[wid], idx_v)

    bufs = (buf0, buf1, buf2, buf3, buf4, buf5)

    def start_gather(c):
        return pltpu.async_copy(w_hbm.at[idx_v.at[c]], bufs[c % NBUF], gsem)

    def start_write(c):
        return pltpu.async_copy(
            bufs[c % NBUF], out_hbm.at[pl.ds(base + c * CHUNK, CHUNK)], wsem
        )

    gathers = [None] * NBUF
    writes = [None] * NBUF
    for c in range(min(NBUF, NCHUNK)):
        gathers[c % NBUF] = start_gather(c)
    for c in range(NCHUNK):
        b = c % NBUF
        gathers[b].wait()
        writes[b] = start_write(c)
        nxt = c + 1
        if NBUF <= nxt < NCHUNK:
            nb = nxt % NBUF
            writes[nb].wait()
            gathers[nb] = start_gather(nxt)
            writes[nb] = None
    for w in writes:
        if w is not None:
            w.wait()


def kernel(t, W):
    t3 = t.reshape(NW, NCHUNK, CHUNK)
    return _gather_kernel(t3, W)

# --- scband reference (transcript-rebuilt; emitter-appended) ---
"""Pipeline reference for scband-timestep-embedding-72593537237707 (READ-ONLY COPY).

The authoritative reference and input builder live on the scoring server;
editing this copy changes nothing except your own understanding.
"""

import jax, jax.numpy as jnp
import numpy as np


def setup_inputs(seed: int = 0) -> dict:
    key = jax.random.key(seed)
    k_t, k_w = jax.random.split(key)
    t = jax.random.randint(k_t, (16384,), 0, 1000, dtype=jnp.int64 if jax.config.jax_enable_x64 else jnp.int32)
    W = jax.random.normal(k_w, (1000, 256), dtype=jnp.float32)
    return {"t": t, "W": W}


def reference(t, W):
    # nn.Embedding lookup: gather rows of the embedding table
    return jnp.take(W, t, axis=0)

if __name__ == "__main__":
    import jax
    _d = setup_inputs()
    print(jax.jit(kernel)(*tuple(_d.values())))

</pallas_src>

<mosaic_0001>
#map = affine_map<(d0, d1) -> (0, 0, 0)>
#map1 = affine_map<(d0, d1) -> (0, 0)>
module attributes {stable_mosaic.version = 14 : i64} {
  func.func @_gather_kernel(%arg0: i32, %arg1: i32, %arg2: memref<32x8x64xi32, #tpu.memory_space<hbm>>, %arg3: memref<1000x256xf32, #tpu.memory_space<hbm>>, %arg4: memref<16384x256xf32, #tpu.memory_space<hbm>>, %arg5: memref<8x64xi32, #tpu.memory_space<vmem>>, %arg6: memref<64x256xf32, #tpu.memory_space<vmem>>, %arg7: memref<64x256xf32, #tpu.memory_space<vmem>>, %arg8: memref<64x256xf32, #tpu.memory_space<vmem>>, %arg9: memref<64x256xf32, #tpu.memory_space<vmem>>, %arg10: memref<64x256xf32, #tpu.memory_space<vmem>>, %arg11: memref<64x256xf32, #tpu.memory_space<vmem>>, %arg12: memref<!tpu.dma_semaphore, #tpu.memory_space<semaphore_mem>>, %arg13: memref<!tpu.dma_semaphore, #tpu.memory_space<semaphore_mem>>) attributes {dimension_semantics = [#tpu.dimension_semantics<core_parallel>, #tpu.dimension_semantics<subcore_parallel>], iteration_bounds = array<i64: 2, 16>, scalar_prefetch = 0 : i64, scratch_operands = 9 : i64, tpu.core_type = #tpu.core_type<sc_vector_subcore>, window_params = [{transform_indices = #map}, {transform_indices = #map1}, {transform_indices = #map1}]} {
    %mul3A = arith.constant 2 : i32
    %mul3A_0 = arith.muli %arg1, %mul3A : i32
    %add3A = arith.addi %mul3A_0, %arg0 : i32
    %mul3A_1 = arith.constant 512 : i32
    %mul3A_2 = arith.muli %add3A, %mul3A_1 : i32
    "tpu.region"() ({
      %run_scoped3A = tpu.sem_alloc : memref<!tpu.dma_semaphore, #tpu.memory_space<semaphore_mem>>
      %dma_start3A_193 = arith.constant 0 : i32
      %dma_start3A_194 = arith.constant 0 : i32
      %dma_start3A_195 = tpu.memref_slice %arg2[%add3A, %dma_start3A_193, %dma_start3A_194] : memref<32x8x64xi32, #tpu.memory_space<hbm>> -> memref<1x8x64xi32, #tpu.memory_space<hbm>>
      %dma_start3A_196 = tpu.memref_squeeze %dma_start3A_195 : memref<1x8x64xi32, #tpu.memory_space<hbm>> -> memref<8x64xi32, #tpu.memory_space<hbm>>
      %dma_start3A_197 = arith.constant 0 : i32
      %dma_start3A_198 = arith.constant 0 : i32
      %dma_start3A_199 = tpu.memref_slice %arg2[%add3A, %dma_start3A_197, %dma_start3A_198] : memref<32x8x64xi32, #tpu.memory_space<hbm>> -> memref<1x8x64xi32, #tpu.memory_space<hbm>>
      %dma_start3A_200 = tpu.memref_squeeze %dma_start3A_199 : memref<1x8x64xi32, #tpu.memory_space<hbm>> -> memref<8x64xi32, #tpu.memory_space<hbm>>
      tpu.enqueue_dma source(%dma_start3A_200 : memref<8x64xi32, #tpu.memory_space<hbm>>) target(%arg5 : memref<8x64xi32, #tpu.memory_space<vmem>>) target_semaphore(%run_scoped3A : memref<!tpu.dma_semaphore, #tpu.memory_space<semaphore_mem>>)
      %dma_wait3A_201 = arith.constant 0 : i32
      %dma_wait3A_202 = arith.constant 0 : i32
      %dma_wait3A_203 = tpu.memref_slice %arg2[%add3A, %dma_wait3A_201, %dma_wait3A_202] : memref<32x8x64xi32, #tpu.memory_space<hbm>> -> memref<1x8x64xi32, #tpu.memory_space<hbm>>
      %dma_wait3A_204 = tpu.memref_squeeze %dma_wait3A_203 : memref<1x8x64xi32, #tpu.memory_space<hbm>> -> memref<8x64xi32, #tpu.memory_space<hbm>>
      %dma_wait3A_205 = arith.constant 0 : i32
      %dma_wait3A_206 = arith.constant 0 : i32
      %dma_wait3A_207 = tpu.memref_slice %arg2[%add3A, %dma_wait3A_205, %dma_wait3A_206] : memref<32x8x64xi32, #tpu.memory_space<hbm>> -> memref<1x8x64xi32, #tpu.memory_space<hbm>>
      %dma_wait3A_208 = tpu.memref_squeeze %dma_wait3A_207 : memref<1x8x64xi32, #tpu.memory_space<hbm>> -> memref<8x64xi32, #tpu.memory_space<hbm>>
      tpu.wait_dma2 semaphore(%run_scoped3A : memref<!tpu.dma_semaphore, #tpu.memory_space<semaphore_mem>>) src(%dma_wait3A_208 : memref<8x64xi32, #tpu.memory_space<hbm>>) dst(%arg5 : memref<8x64xi32, #tpu.memory_space<vmem>>)
      tpu.yield
    }) : () -> ()
    %dma_start3A = arith.constant 0 : i32
    %dma_start3A_3 = arith.constant 0 : i32
    %dma_start3A_4 = tpu.memref_slice %arg5[%dma_start3A, %dma_start3A_3] : memref<8x64xi32, #tpu.memory_space<vmem>> -> memref<1x64xi32, #tpu.memory_space<vmem>>
    %dma_start3A_5 = tpu.memref_squeeze %dma_start3A_4 : memref<1x64xi32, #tpu.memory_space<vmem>> -> memref<64xi32, #tpu.memory_space<vmem>>
    %dma_start3A_6 = arith.constant 0 : i32
    %dma_start3A_7 = arith.constant 0 : i32
    %dma_start3A_8 = tpu.memref_slice %arg3[%dma_start3A_6, %dma_start3A_7] : memref<1000x256xf32, #tpu.memory_space<hbm>> -> memref<1000x256xf32, #tpu.memory_space<hbm>>
    tpu.enqueue_indirect_dma source(%dma_start3A_8 : memref<1000x256xf32, #tpu.memory_space<hbm>>) target(%arg6 : memref<64x256xf32, #tpu.memory_space<vmem>>) offsets(%dma_start3A_5 : memref<64xi32, #tpu.memory_space<vmem>>) semaphore(%arg12 : memref<!tpu.dma_semaphore, #tpu.memory_space<semaphore_mem>>)
    %dma_start3A_9 = arith.constant 1 : i32
    %dma_start3A_10 = arith.constant 0 : i32
    %dma_start3A_11 = tpu.memref_slice %arg5[%dma_start3A_9, %dma_start3A_10] : memref<8x64xi32, #tpu.memory_space<vmem>> -> memref<1x64xi32, #tpu.memory_space<vmem>>
    %dma_start3A_12 = tpu.memref_squeeze %dma_start3A_11 : memref<1x64xi32, #tpu.memory_space<vmem>> -> memref<64xi32, #tpu.memory_space<vmem>>
    %dma_start3A_13 = arith.constant 0 : i32
    %dma_start3A_14 = arith.constant 0 : i32
    %dma_start3A_15 = tpu.memref_slice %arg3[%dma_start3A_13, %dma_start3A_14] : memref<1000x256xf32, #tpu.memory_space<hbm>> -> memref<1000x256xf32, #tpu.memory_space<hbm>>
    tpu.enqueue_indirect_dma source(%dma_start3A_15 : memref<1000x256xf32, #tpu.memory_space<hbm>>) target(%arg7 : memref<64x256xf32, #tpu.memory_space<vmem>>) offsets(%dma_start3A_12 : memref<64xi32, #tpu.memory_space<vmem>>) semaphore(%arg12 : memref<!tpu.dma_semaphore, #tpu.memory_space<semaphore_mem>>)
    %dma_start3A_16 = arith.constant 2 : i32
    %dma_start3A_17 = arith.constant 0 : i32
    %dma_start3A_18 = tpu.memref_slice %arg5[%dma_start3A_16, %dma_start3A_17] : memref<8x64xi32, #tpu.memory_space<vmem>> -> memref<1x64xi32, #tpu.memory_space<vmem>>
    %dma_start3A_19 = tpu.memref_squeeze %dma_start3A_18 : memref<1x64xi32, #tpu.memory_space<vmem>> -> memref<64xi32, #tpu.memory_space<vmem>>
    %dma_start3A_20 = arith.constant 0 : i32
    %dma_start3A_21 = arith.constant 0 : i32
    %dma_start3A_22 = tpu.memref_slice %arg3[%dma_start3A_20, %dma_start3A_21] : memref<1000x256xf32, #tpu.memory_space<hbm>> -> memref<1000x256xf32, #tpu.memory_space<hbm>>
    tpu.enqueue_indirect_dma source(%dma_start3A_22 : memref<1000x256xf32, #tpu.memory_space<hbm>>) target(%arg8 : memref<64x256xf32, #tpu.memory_space<vmem>>) offsets(%dma_start3A_19 : memref<64xi32, #tpu.memory_space<vmem>>) semaphore(%arg12 : memref<!tpu.dma_semaphore, #tpu.memory_space<semaphore_mem>>)
    %dma_start3A_23 = arith.constant 3 : i32
    %dma_start3A_24 = arith.constant 0 : i32
    %dma_start3A_25 = tpu.memref_slice %arg5[%dma_start3A_23, %dma_start3A_24] : memref<8x64xi32, #tpu.memory_space<vmem>> -> memref<1x64xi32, #tpu.memory_space<vmem>>
    %dma_start3A_26 = tpu.memref_squeeze %dma_start3A_25 : memref<1x64xi32, #tpu.memory_space<vmem>> -> memref<64xi32, #tpu.memory_space<vmem>>
    %dma_start3A_27 = arith.constant 0 : i32
    %dma_start3A_28 = arith.constant 0 : i32
    %dma_start3A_29 = tpu.memref_slice %arg3[%dma_start3A_27, %dma_start3A_28] : memref<1000x256xf32, #tpu.memory_space<hbm>> -> memref<1000x256xf32, #tpu.memory_space<hbm>>
    tpu.enqueue_indirect_dma source(%dma_start3A_29 : memref<1000x256xf32, #tpu.memory_space<hbm>>) target(%arg9 : memref<64x256xf32, #tpu.memory_space<vmem>>) offsets(%dma_start3A_26 : memref<64xi32, #tpu.memory_space<vmem>>) semaphore(%arg12 : memref<!tpu.dma_semaphore, #tpu.memory_space<semaphore_mem>>)
    %dma_start3A_30 = arith.constant 4 : i32
    %dma_start3A_31 = arith.constant 0 : i32
    %dma_start3A_32 = tpu.memref_slice %arg5[%dma_start3A_30, %dma_start3A_31] : memref<8x64xi32, #tpu.memory_space<vmem>> -> memref<1x64xi32, #tpu.memory_space<vmem>>
    %dma_start3A_33 = tpu.memref_squeeze %dma_start3A_32 : memref<1x64xi32, #tpu.memory_space<vmem>> -> memref<64xi32, #tpu.memory_space<vmem>>
    %dma_start3A_34 = arith.constant 0 : i32
    %dma_start3A_35 = arith.constant 0 : i32
    %dma_start3A_36 = tpu.memref_slice %arg3[%dma_start3A_34, %dma_start3A_35] : memref<1000x256xf32, #tpu.memory_space<hbm>> -> memref<1000x256xf32, #tpu.memory_space<hbm>>
    tpu.enqueue_indirect_dma source(%dma_start3A_36 : memref<1000x256xf32, #tpu.memory_space<hbm>>) target(%arg10 : memref<64x256xf32, #tpu.memory_space<vmem>>) offsets(%dma_start3A_33 : memref<64xi32, #tpu.memory_space<vmem>>) semaphore(%arg12 : memref<!tpu.dma_semaphore, #tpu.memory_space<semaphore_mem>>)
    %dma_start3A_37 = arith.constant 5 : i32
    %dma_start3A_38 = arith.constant 0 : i32
    %dma_start3A_39 = tpu.memref_slice %arg5[%dma_start3A_37, %dma_start3A_38] : memref<8x64xi32, #tpu.memory_space<vmem>> -> memref<1x64xi32, #tpu.memory_space<vmem>>
    %dma_start3A_40 = tpu.memref_squeeze %dma_start3A_39 : memref<1x64xi32, #tpu.memory_space<vmem>> -> memref<64xi32, #tpu.memory_space<vmem>>
    %dma_start3A_41 = arith.constant 0 : i32
    %dma_start3A_42 = arith.constant 0 : i32
    %dma_start3A_43 = tpu.memref_slice %arg3[%dma_start3A_41, %dma_start3A_42] : memref<1000x256xf32, #tpu.memory_space<hbm>> -> memref<1000x256xf32, #tpu.memory_space<hbm>>
    tpu.enqueue_indirect_dma source(%dma_start3A_43 : memref<1000x256xf32, #tpu.memory_space<hbm>>) target(%arg11 : memref<64x256xf32, #tpu.memory_space<vmem>>) offsets(%dma_start3A_40 : memref<64xi32, #tpu.memory_space<vmem>>) semaphore(%arg12 : memref<!tpu.dma_semaphore, #tpu.memory_space<semaphore_mem>>)
    %dma_wait3A = arith.constant 0 : i32
    %dma_wait3A_44 = arith.constant 0 : i32
    %dma_wait3A_45 = tpu.memref_slice %arg5[%dma_wait3A, %dma_wait3A_44] : memref<8x64xi32, #tpu.memory_space<vmem>> -> memref<1x64xi32, #tpu.memory_space<vmem>>
    %dma_wait3A_46 = tpu.memref_squeeze %dma_wait3A_45 : memref<1x64xi32, #tpu.memory_space<vmem>> -> memref<64xi32, #tpu.memory_space<vmem>>
    %dma_wait3A_47 = arith.constant 0 : i32
    %dma_wait3A_48 = arith.constant 0 : i32
    %dma_wait3A_49 = tpu.memref_slice %arg3[%dma_wait3A_47, %dma_wait3A_48] : memref<1000x256xf32, #tpu.memory_space<hbm>> -> memref<1000x256xf32, #tpu.memory_space<hbm>>
    tpu.wait_indirect_dma semaphore(%arg12 : memref<!tpu.dma_semaphore, #tpu.memory_space<semaphore_mem>>) src(%dma_wait3A_49 : memref<1000x256xf32, #tpu.memory_space<hbm>>) dst(%arg6 : memref<64x256xf32, #tpu.memory_space<vmem>>)
    %add3A_50 = arith.constant 0 : i32
    %add3A_51 = arith.addi %mul3A_2, %add3A_50 : i32
    %dma_start3A_52 = arith.constant 0 : i32
    %dma_start3A_53 = tpu.memref_slice %arg4[%add3A_51, %dma_start3A_52] : memref<16384x256xf32, #tpu.memory_space<hbm>> -> memref<64x256xf32, #tpu.memory_space<hbm>>
    %dma_start3A_54 = arith.constant 0 : i32
    %dma_start3A_55 = tpu.memref_slice %arg4[%add3A_51, %dma_start3A_54] : memref<16384x256xf32, #tpu.memory_space<hbm>> -> memref<64x256xf32, #tpu.memory_space<hbm>>
    tpu.enqueue_dma source(%arg6 : memref<64x256xf32, #tpu.memory_space<vmem>>) target(%dma_start3A_55 : memref<64x256xf32, #tpu.memory_space<hbm>>) target_semaphore(%arg13 : memref<!tpu.dma_semaphore, #tpu.memory_space<semaphore_mem>>)
    %dma_wait3A_56 = arith.constant 1 : i32
    %dma_wait3A_57 = arith.constant 0 : i32
    %dma_wait3A_58 = tpu.memref_slice %arg5[%dma_wait3A_56, %dma_wait3A_57] : memref<8x64xi32, #tpu.memory_space<vmem>> -> memref<1x64xi32, #tpu.memory_space<vmem>>
    %dma_wait3A_59 = tpu.memref_squeeze %dma_wait3A_58 : memref<1x64xi32, #tpu.memory_space<vmem>> -> memref<64xi32, #tpu.memory_space<vmem>>
    %dma_wait3A_60 = arith.constant 0 : i32
    %dma_wait3A_61 = arith.constant 0 : i32
    %dma_wait3A_62 = tpu.memref_slice %arg3[%dma_wait3A_60, %dma_wait3A_61] : memref<1000x256xf32, #tpu.memory_space<hbm>> -> memref<1000x256xf32, #tpu.memory_space<hbm>>
    tpu.wait_indirect_dma semaphore(%arg12 : memref<!tpu.dma_semaphore, #tpu.memory_space<semaphore_mem>>) src(%dma_wait3A_62 : memref<1000x256xf32, #tpu.memory_space<hbm>>) dst(%arg7 : memref<64x256xf32, #tpu.memory_space<vmem>>)
    %add3A_63 = arith.constant 64 : i32
    %add3A_64 = arith.addi %mul3A_2, %add3A_63 : i32
    %dma_start3A_65 = arith.constant 0 : i32
    %dma_start3A_66 = tpu.memref_slice %arg4[%add3A_64, %dma_start3A_65] : memref<16384x256xf32, #tpu.memory_space<hbm>> -> memref<64x256xf32, #tpu.memory_space<hbm>>
    %dma_start3A_67 = arith.constant 0 : i32
    %dma_start3A_68 = tpu.memref_slice %arg4[%add3A_64, %dma_start3A_67] : memref<16384x256xf32, #tpu.memory_space<hbm>> -> memref<64x256xf32, #tpu.memory_space<hbm>>
    tpu.enqueue_dma source(%arg7 : memref<64x256xf32, #tpu.memory_space<vmem>>) target(%dma_start3A_68 : memref<64x256xf32, #tpu.memory_space<hbm>>) target_semaphore(%arg13 : memref<!tpu.dma_semaphore, #tpu.memory_space<semaphore_mem>>)
    %dma_wait3A_69 = arith.constant 2 : i32
    %dma_wait3A_70 = arith.constant 0 : i32
    %dma_wait3A_71 = tpu.memref_slice %arg5[%dma_wait3A_69, %dma_wait3A_70] : memref<8x64xi32, #tpu.memory_space<vmem>> -> memref<1x64xi32, #tpu.memory_space<vmem>>
    %dma_wait3A_72 = tpu.memref_squeeze %dma_wait3A_71 : memref<1x64xi32, #tpu.memory_space<vmem>> -> memref<64xi32, #tpu.memory_space<vmem>>
    %dma_wait3A_73 = arith.constant 0 : i32
    %dma_wait3A_74 = arith.constant 0 : i32
    %dma_wait3A_75 = tpu.memref_slice %arg3[%dma_wait3A_73, %dma_wait3A_74] : memref<1000x256xf32, #tpu.memory_space<hbm>> -> memref<1000x256xf32, #tpu.memory_space<hbm>>
    tpu.wait_indirect_dma semaphore(%arg12 : memref<!tpu.dma_semaphore, #tpu.memory_space<semaphore_mem>>) src(%dma_wait3A_75 : memref<1000x256xf32, #tpu.memory_space<hbm>>) dst(%arg8 : memref<64x256xf32, #tpu.memory_space<vmem>>)
    %add3A_76 = arith.constant 128 : i32
    %add3A_77 = arith.addi %mul3A_2, %add3A_76 : i32
    %dma_start3A_78 = arith.constant 0 : i32
    %dma_start3A_79 = tpu.memref_slice %arg4[%add3A_77, %dma_start3A_78] : memref<16384x256xf32, #tpu.memory_space<hbm>> -> memref<64x256xf32, #tpu.memory_space<hbm>>
    %dma_start3A_80 = arith.constant 0 : i32
    %dma_start3A_81 = tpu.memref_slice %arg4[%add3A_77, %dma_start3A_80] : memref<16384x256xf32, #tpu.memory_space<hbm>> -> memref<64x256xf32, #tpu.memory_space<hbm>>
    tpu.enqueue_dma source(%arg8 : memref<64x256xf32, #tpu.memory_space<vmem>>) target(%dma_start3A_81 : memref<64x256xf32, #tpu.memory_space<hbm>>) target_semaphore(%arg13 : memref<!tpu.dma_semaphore, #tpu.memory_space<semaphore_mem>>)
    %dma_wait3A_82 = arith.constant 3 : i32
    %dma_wait3A_83 = arith.constant 0 : i32
    %dma_wait3A_84 = tpu.memref_slice %arg5[%dma_wait3A_82, %dma_wait3A_83] : memref<8x64xi32, #tpu.memory_space<vmem>> -> memref<1x64xi32, #tpu.memory_space<vmem>>
    %dma_wait3A_85 = tpu.memref_squeeze %dma_wait3A_84 : memref<1x64xi32, #tpu.memory_space<vmem>> -> memref<64xi32, #tpu.memory_space<vmem>>
    %dma_wait3A_86 = arith.constant 0 : i32
    %dma_wait3A_87 = arith.constant 0 : i32
    %dma_wait3A_88 = tpu.memref_slice %arg3[%dma_wait3A_86, %dma_wait3A_87] : memref<1000x256xf32, #tpu.memory_space<hbm>> -> memref<1000x256xf32, #tpu.memory_space<hbm>>
    tpu.wait_indirect_dma semaphore(%arg12 : memref<!tpu.dma_semaphore, #tpu.memory_space<semaphore_mem>>) src(%dma_wait3A_88 : memref<1000x256xf32, #tpu.memory_space<hbm>>) dst(%arg9 : memref<64x256xf32, #tpu.memory_space<vmem>>)
    %add3A_89 = arith.constant 192 : i32
    %add3A_90 = arith.addi %mul3A_2, %add3A_89 : i32
    %dma_start3A_91 = arith.constant 0 : i32
    %dma_start3A_92 = tpu.memref_slice %arg4[%add3A_90, %dma_start3A_91] : memref<16384x256xf32, #tpu.memory_space<hbm>> -> memref<64x256xf32, #tpu.memory_space<hbm>>
    %dma_start3A_93 = arith.constant 0 : i32
    %dma_start3A_94 = tpu.memref_slice %arg4[%add3A_90, %dma_start3A_93] : memref<16384x256xf32, #tpu.memory_space<hbm>> -> memref<64x256xf32, #tpu.memory_space<hbm>>
    tpu.enqueue_dma source(%arg9 : memref<64x256xf32, #tpu.memory_space<vmem>>) target(%dma_start3A_94 : memref<64x256xf32, #tpu.memory_space<hbm>>) target_semaphore(%arg13 : memref<!tpu.dma_semaphore, #tpu.memory_space<semaphore_mem>>)
    %dma_wait3A_95 = arith.constant 4 : i32
    %dma_wait3A_96 = arith.constant 0 : i32
    %dma_wait3A_97 = tpu.memref_slice %arg5[%dma_wait3A_95, %dma_wait3A_96] : memref<8x64xi32, #tpu.memory_space<vmem>> -> memref<1x64xi32, #tpu.memory_space<vmem>>
    %dma_wait3A_98 = tpu.memref_squeeze %dma_wait3A_97 : memref<1x64xi32, #tpu.memory_space<vmem>> -> memref<64xi32, #tpu.memory_space<vmem>>
    %dma_wait3A_99 = arith.constant 0 : i32
    %dma_wait3A_100 = arith.constant 0 : i32
    %dma_wait3A_101 = tpu.memref_slice %arg3[%dma_wait3A_99, %dma_wait3A_100] : memref<1000x256xf32, #tpu.memory_space<hbm>> -> memref<1000x256xf32, #tpu.memory_space<hbm>>
    tpu.wait_indirect_dma semaphore(%arg12 : memref<!tpu.dma_semaphore, #tpu.memory_space<semaphore_mem>>) src(%dma_wait3A_101 : memref<1000x256xf32, #tpu.memory_space<hbm>>) dst(%arg10 : memref<64x256xf32, #tpu.memory_space<vmem>>)
    %add3A_102 = arith.constant 256 : i32
    %add3A_103 = arith.addi %mul3A_2, %add3A_102 : i32
    %dma_start3A_104 = arith.constant 0 : i32
    %dma_start3A_105 = tpu.memref_slice %arg4[%add3A_103, %dma_start3A_104] : memref<16384x256xf32, #tpu.memory_space<hbm>> -> memref<64x256xf32, #tpu.memory_space<hbm>>
    %dma_start3A_106 = arith.constant 0 : i32
    %dma_start3A_107 = tpu.memref_slice %arg4[%add3A_103, %dma_start3A_106] : memref<16384x256xf32, #tpu.memory_space<hbm>> -> memref<64x256xf32, #tpu.memory_space<hbm>>
    tpu.enqueue_dma source(%arg10 : memref<64x256xf32, #tpu.memory_space<vmem>>) target(%dma_start3A_107 : memref<64x256xf32, #tpu.memory_space<hbm>>) target_semaphore(%arg13 : memref<!tpu.dma_semaphore, #tpu.memory_space<semaphore_mem>>)
    %dma_wait3A_108 = arith.constant 5 : i32
    %dma_wait3A_109 = arith.constant 0 : i32
    %dma_wait3A_110 = tpu.memref_slice %arg5[%dma_wait3A_108, %dma_wait3A_109] : memref<8x64xi32, #tpu.memory_space<vmem>> -> memref<1x64xi32, #tpu.memory_space<vmem>>
    %dma_wait3A_111 = tpu.memref_squeeze %dma_wait3A_110 : memref<1x64xi32, #tpu.memory_space<vmem>> -> memref<64xi32, #tpu.memory_space<vmem>>
    %dma_wait3A_112 = arith.constant 0 : i32
    %dma_wait3A_113 = arith.constant 0 : i32
    %dma_wait3A_114 = tpu.memref_slice %arg3[%dma_wait3A_112, %dma_wait3A_113] : memref<1000x256xf32, #tpu.memory_space<hbm>> -> memref<1000x256xf32, #tpu.memory_space<hbm>>
    tpu.wait_indirect_dma semaphore(%arg12 : memref<!tpu.dma_semaphore, #tpu.memory_space<semaphore_mem>>) src(%dma_wait3A_114 : memref<1000x256xf32, #tpu.memory_space<hbm>>) dst(%arg11 : memref<64x256xf32, #tpu.memory_space<vmem>>)
    %add3A_115 = arith.constant 320 : i32
    %add3A_116 = arith.addi %mul3A_2, %add3A_115 : i32
    %dma_start3A_117 = arith.constant 0 : i32
    %dma_start3A_118 = tpu.memref_slice %arg4[%add3A_116, %dma_start3A_117] : memref<16384x256xf32, #tpu.memory_space<hbm>> -> memref<64x256xf32, #tpu.memory_space<hbm>>
    %dma_start3A_119 = arith.constant 0 : i32
    %dma_start3A_120 = tpu.memref_slice %arg4[%add3A_116, %dma_start3A_119] : memref<16384x256xf32, #tpu.memory_space<hbm>> -> memref<64x256xf32, #tpu.memory_space<hbm>>
    tpu.enqueue_dma source(%arg11 : memref<64x256xf32, #tpu.memory_space<vmem>>) target(%dma_start3A_120 : memref<64x256xf32, #tpu.memory_space<hbm>>) target_semaphore(%arg13 : memref<!tpu.dma_semaphore, #tpu.memory_space<semaphore_mem>>)
    %dma_wait3A_121 = arith.constant 0 : i32
    %dma_wait3A_122 = tpu.memref_slice %arg4[%add3A_51, %dma_wait3A_121] : memref<16384x256xf32, #tpu.memory_space<hbm>> -> memref<64x256xf32, #tpu.memory_space<hbm>>
    %dma_wait3A_123 = arith.constant 0 : i32
    %dma_wait3A_124 = tpu.memref_slice %arg4[%add3A_51, %dma_wait3A_123] : memref<16384x256xf32, #tpu.memory_space<hbm>> -> memref<64x256xf32, #tpu.memory_space<hbm>>
    tpu.wait_dma2 semaphore(%arg13 : memref<!tpu.dma_semaphore, #tpu.memory_space<semaphore_mem>>) src(%arg6 : memref<64x256xf32, #tpu.memory_space<vmem>>) dst(%dma_wait3A_124 : memref<64x256xf32, #tpu.memory_space<hbm>>)
    %dma_start3A_125 = arith.constant 6 : i32
    %dma_start3A_126 = arith.constant 0 : i32
    %dma_start3A_127 = tpu.memref_slice %arg5[%dma_start3A_125, %dma_start3A_126] : memref<8x64xi32, #tpu.memory_space<vmem>> -> memref<1x64xi32, #tpu.memory_space<vmem>>
    %dma_start3A_128 = tpu.memref_squeeze %dma_start3A_127 : memref<1x64xi32, #tpu.memory_space<vmem>> -> memref<64xi32, #tpu.memory_space<vmem>>
    %dma_start3A_129 = arith.constant 0 : i32
    %dma_start3A_130 = arith.constant 0 : i32
    %dma_start3A_131 = tpu.memref_slice %arg3[%dma_start3A_129, %dma_start3A_130] : memref<1000x256xf32, #tpu.memory_space<hbm>> -> memref<1000x256xf32, #tpu.memory_space<hbm>>
    tpu.enqueue_indirect_dma source(%dma_start3A_131 : memref<1000x256xf32, #tpu.memory_space<hbm>>) target(%arg6 : memref<64x256xf32, #tpu.memory_space<vmem>>) offsets(%dma_start3A_128 : memref<64xi32, #tpu.memory_space<vmem>>) semaphore(%arg12 : memref<!tpu.dma_semaphore, #tpu.memory_space<semaphore_mem>>)
    %dma_wait3A_132 = arith.constant 6 : i32
    %dma_wait3A_133 = arith.constant 0 : i32
    %dma_wait3A_134 = tpu.memref_slice %arg5[%dma_wait3A_132, %dma_wait3A_133] : memref<8x64xi32, #tpu.memory_space<vmem>> -> memref<1x64xi32, #tpu.memory_space<vmem>>
    %dma_wait3A_135 = tpu.memref_squeeze %dma_wait3A_134 : memref<1x64xi32, #tpu.memory_space<vmem>> -> memref<64xi32, #tpu.memory_space<vmem>>
    %dma_wait3A_136 = arith.constant 0 : i32
    %dma_wait3A_137 = arith.constant 0 : i32
    %dma_wait3A_138 = tpu.memref_slice %arg3[%dma_wait3A_136, %dma_wait3A_137] : memref<1000x256xf32, #tpu.memory_space<hbm>> -> memref<1000x256xf32, #tpu.memory_space<hbm>>
    tpu.wait_indirect_dma semaphore(%arg12 : memref<!tpu.dma_semaphore, #tpu.memory_space<semaphore_mem>>) src(%dma_wait3A_138 : memref<1000x256xf32, #tpu.memory_space<hbm>>) dst(%arg6 : memref<64x256xf32, #tpu.memory_space<vmem>>)
    %add3A_139 = arith.constant 384 : i32
    %add3A_140 = arith.addi %mul3A_2, %add3A_139 : i32
    %dma_start3A_141 = arith.constant 0 : i32
    %dma_start3A_142 = tpu.memref_slice %arg4[%add3A_140, %dma_start3A_141] : memref<16384x256xf32, #tpu.memory_space<hbm>> -> memref<64x256xf32, #tpu.memory_space<hbm>>
    %dma_start3A_143 = arith.constant 0 : i32
    %dma_start3A_144 = tpu.memref_slice %arg4[%add3A_140, %dma_start3A_143] : memref<16384x256xf32, #tpu.memory_space<hbm>> -> memref<64x256xf32, #tpu.memory_space<hbm>>
    tpu.enqueue_dma source(%arg6 : memref<64x256xf32, #tpu.memory_space<vmem>>) target(%dma_start3A_144 : memref<64x256xf32, #tpu.memory_space<hbm>>) target_semaphore(%arg13 : memref<!tpu.dma_semaphore, #tpu.memory_space<semaphore_mem>>)
    %dma_wait3A_145 = arith.constant 0 : i32
    %dma_wait3A_146 = tpu.memref_slice %arg4[%add3A_64, %dma_wait3A_145] : memref<16384x256xf32, #tpu.memory_space<hbm>> -> memref<64x256xf32, #tpu.memory_space<hbm>>
    %dma_wait3A_147 = arith.constant 0 : i32
    %dma_wait3A_148 = tpu.memref_slice %arg4[%add3A_64, %dma_wait3A_147] : memref<16384x256xf32, #tpu.memory_space<hbm>> -> memref<64x256xf32, #tpu.memory_space<hbm>>
    tpu.wait_dma2 semaphore(%arg13 : memref<!tpu.dma_semaphore, #tpu.memory_space<semaphore_mem>>) src(%arg7 : memref<64x256xf32, #tpu.memory_space<vmem>>) dst(%dma_wait3A_148 : memref<64x256xf32, #tpu.memory_space<hbm>>)
    %dma_start3A_149 = arith.constant 7 : i32
    %dma_start3A_150 = arith.constant 0 : i32
    %dma_start3A_151 = tpu.memref_slice %arg5[%dma_start3A_149, %dma_start3A_150] : memref<8x64xi32, #tpu.memory_space<vmem>> -> memref<1x64xi32, #tpu.memory_space<vmem>>
    %dma_start3A_152 = tpu.memref_squeeze %dma_start3A_151 : memref<1x64xi32, #tpu.memory_space<vmem>> -> memref<64xi32, #tpu.memory_space<vmem>>
    %dma_start3A_153 = arith.constant 0 : i32
    %dma_start3A_154 = arith.constant 0 : i32
    %dma_start3A_155 = tpu.memref_slice %arg3[%dma_start3A_153, %dma_start3A_154] : memref<1000x256xf32, #tpu.memory_space<hbm>> -> memref<1000x256xf32, #tpu.memory_space<hbm>>
    tpu.enqueue_indirect_dma source(%dma_start3A_155 : memref<1000x256xf32, #tpu.memory_space<hbm>>) target(%arg7 : memref<64x256xf32, #tpu.memory_space<vmem>>) offsets(%dma_start3A_152 : memref<64xi32, #tpu.memory_space<vmem>>) semaphore(%arg12 : memref<!tpu.dma_semaphore, #tpu.memory_space<semaphore_mem>>)
    %dma_wait3A_156 = arith.constant 7 : i32
    %dma_wait3A_157 = arith.constant 0 : i32
    %dma_wait3A_158 = tpu.memref_slice %arg5[%dma_wait3A_156, %dma_wait3A_157] : memref<8x64xi32, #tpu.memory_space<vmem>> -> memref<1x64xi32, #tpu.memory_space<vmem>>
    %dma_wait3A_159 = tpu.memref_squeeze %dma_wait3A_158 : memref<1x64xi32, #tpu.memory_space<vmem>> -> memref<64xi32, #tpu.memory_space<vmem>>
    %dma_wait3A_160 = arith.constant 0 : i32
    %dma_wait3A_161 = arith.constant 0 : i32
    %dma_wait3A_162 = tpu.memref_slice %arg3[%dma_wait3A_160, %dma_wait3A_161] : memref<1000x256xf32, #tpu.memory_space<hbm>> -> memref<1000x256xf32, #tpu.memory_space<hbm>>
    tpu.wait_indirect_dma semaphore(%arg12 : memref<!tpu.dma_semaphore, #tpu.memory_space<semaphore_mem>>) src(%dma_wait3A_162 : memref<1000x256xf32, #tpu.memory_space<hbm>>) dst(%arg7 : memref<64x256xf32, #tpu.memory_space<vmem>>)
    %add3A_163 = arith.constant 448 : i32
    %add3A_164 = arith.addi %mul3A_2, %add3A_163 : i32
    %dma_start3A_165 = arith.constant 0 : i32
    %dma_start3A_166 = tpu.memref_slice %arg4[%add3A_164, %dma_start3A_165] : memref<16384x256xf32, #tpu.memory_space<hbm>> -> memref<64x256xf32, #tpu.memory_space<hbm>>
    %dma_start3A_167 = arith.constant 0 : i32
    %dma_start3A_168 = tpu.memref_slice %arg4[%add3A_164, %dma_start3A_167] : memref<16384x256xf32, #tpu.memory_space<hbm>> -> memref<64x256xf32, #tpu.memory_space<hbm>>
    tpu.enqueue_dma source(%arg7 : memref<64x256xf32, #tpu.memory_space<vmem>>) target(%dma_start3A_168 : memref<64x256xf32, #tpu.memory_space<hbm>>) target_semaphore(%arg13 : memref<!tpu.dma_semaphore, #tpu.memory_space<semaphore_mem>>)
    %dma_wait3A_169 = arith.constant 0 : i32
    %dma_wait3A_170 = tpu.memref_slice %arg4[%add3A_140, %dma_wait3A_169] : memref<16384x256xf32, #tpu.memory_space<hbm>> -> memref<64x256xf32, #tpu.memory_space<hbm>>
    %dma_wait3A_171 = arith.constant 0 : i32
    %dma_wait3A_172 = tpu.memref_slice %arg4[%add3A_140, %dma_wait3A_171] : memref<16384x256xf32, #tpu.memory_space<hbm>> -> memref<64x256xf32, #tpu.memory_space<hbm>>
    tpu.wait_dma2 semaphore(%arg13 : memref<!tpu.dma_semaphore, #tpu.memory_space<semaphore_mem>>) src(%arg6 : memref<64x256xf32, #tpu.memory_space<vmem>>) dst(%dma_wait3A_172 : memref<64x256xf32, #tpu.memory_space<hbm>>)
    %dma_wait3A_173 = arith.constant 0 : i32
    %dma_wait3A_174 = tpu.memref_slice %arg4[%add3A_164, %dma_wait3A_173] : memref<16384x256xf32, #tpu.memory_space<hbm>> -> memref<64x256xf32, #tpu.memory_space<hbm>>
    %dma_wait3A_175 = arith.constant 0 : i32
    %dma_wait3A_176 = tpu.memref_slice %arg4[%add3A_164, %dma_wait3A_175] : memref<16384x256xf32, #tpu.memory_space<hbm>> -> memref<64x256xf32, #tpu.memory_space<hbm>>
    tpu.wait_dma2 semaphore(%arg13 : memref<!tpu.dma_semaphore, #tpu.memory_space<semaphore_mem>>) src(%arg7 : memref<64x256xf32, #tpu.memory_space<vmem>>) dst(%dma_wait3A_176 : memref<64x256xf32, #tpu.memory_space<hbm>>)
    %dma_wait3A_177 = arith.constant 0 : i32
    %dma_wait3A_178 = tpu.memref_slice %arg4[%add3A_77, %dma_wait3A_177] : memref<16384x256xf32, #tpu.memory_space<hbm>> -> memref<64x256xf32, #tpu.memory_space<hbm>>
    %dma_wait3A_179 = arith.constant 0 : i32
    %dma_wait3A_180 = tpu.memref_slice %arg4[%add3A_77, %dma_wait3A_179] : memref<16384x256xf32, #tpu.memory_space<hbm>> -> memref<64x256xf32, #tpu.memory_space<hbm>>
    tpu.wait_dma2 semaphore(%arg13 : memref<!tpu.dma_semaphore, #tpu.memory_space<semaphore_mem>>) src(%arg8 : memref<64x256xf32, #tpu.memory_space<vmem>>) dst(%dma_wait3A_180 : memref<64x256xf32, #tpu.memory_space<hbm>>)
    %dma_wait3A_181 = arith.constant 0 : i32
    %dma_wait3A_182 = tpu.memref_slice %arg4[%add3A_90, %dma_wait3A_181] : memref<16384x256xf32, #tpu.memory_space<hbm>> -> memref<64x256xf32, #tpu.memory_space<hbm>>
    %dma_wait3A_183 = arith.constant 0 : i32
    %dma_wait3A_184 = tpu.memref_slice %arg4[%add3A_90, %dma_wait3A_183] : memref<16384x256xf32, #tpu.memory_space<hbm>> -> memref<64x256xf32, #tpu.memory_space<hbm>>
    tpu.wait_dma2 semaphore(%arg13 : memref<!tpu.dma_semaphore, #tpu.memory_space<semaphore_mem>>) src(%arg9 : memref<64x256xf32, #tpu.memory_space<vmem>>) dst(%dma_wait3A_184 : memref<64x256xf32, #tpu.memory_space<hbm>>)
    %dma_wait3A_185 = arith.constant 0 : i32
    %dma_wait3A_186 = tpu.memref_slice %arg4[%add3A_103, %dma_wait3A_185] : memref<16384x256xf32, #tpu.memory_space<hbm>> -> memref<64x256xf32, #tpu.memory_space<hbm>>
    %dma_wait3A_187 = arith.constant 0 : i32
    %dma_wait3A_188 = tpu.memref_slice %arg4[%add3A_103, %dma_wait3A_187] : memref<16384x256xf32, #tpu.memory_space<hbm>> -> memref<64x256xf32, #tpu.memory_space<hbm>>
    tpu.wait_dma2 semaphore(%arg13 : memref<!tpu.dma_semaphore, #tpu.memory_space<semaphore_mem>>) src(%arg10 : memref<64x256xf32, #tpu.memory_space<vmem>>) dst(%dma_wait3A_188 : memref<64x256xf32, #tpu.memory_space<hbm>>)
    %dma_wait3A_189 = arith.constant 0 : i32
    %dma_wait3A_190 = tpu.memref_slice %arg4[%add3A_116, %dma_wait3A_189] : memref<16384x256xf32, #tpu.memory_space<hbm>> -> memref<64x256xf32, #tpu.memory_space<hbm>>
    %dma_wait3A_191 = arith.constant 0 : i32
    %dma_wait3A_192 = tpu.memref_slice %arg4[%add3A_116, %dma_wait3A_191] : memref<16384x256xf32, #tpu.memory_space<hbm>> -> memref<64x256xf32, #tpu.memory_space<hbm>>
    tpu.wait_dma2 semaphore(%arg13 : memref<!tpu.dma_semaphore, #tpu.memory_space<semaphore_mem>>) src(%arg11 : memref<64x256xf32, #tpu.memory_space<vmem>>) dst(%dma_wait3A_192 : memref<64x256xf32, #tpu.memory_space<hbm>>)
    return
  }
}

</mosaic_0001>

<sc_bundles>
// kernel: kernel.3.cloned.1.call-start
scs
__scs_entry_jumppad:
0x0: {  	(pc) =	sbr.rel $0x88, $3  }
0x1: {  	(tag) =	ssettag $0x0;
	lr =	simm.s32 $0x1  }
0x2: {  	[smem:$0x3F9F] =	sst lr;
	_ =	strace $0xD0000000  }
0x3: {  	_ = 	snop  }
0x4: {  	_ = 	snop  }
0x5: {  	_ = 	snop  }
0x6: {  	_ = 	snop  }
0x7: {  	_ = 	snop  }
__scs_overlays_trampoline_lowered:
0x8: {  	[smem:$0x3FAE] =	sst s0  }
0x9: {  	[smem:$0x3FAF] =	sst s1  }
0xa: {  	[smem:$0x3FB0] =	sst s2  }
0xb: {  	[smem:$0x3FB1] =	sst s3  }
0xc: {  	[smem:$0x3FB2] =	sst s4  }
0xd: {  	[smem:$0x3FB3] =	sst s5  }
0xe: {  	[smem:$0x3FB4] =	sst s6  }
0xf: {  	[smem:$0x3FB5] =	sst s7  }
0x10: {  	[smem:$0x3FB6] =	sst s8  }
0x11: {  	[smem:$0x3FB7] =	sst s9;
	s0 =	simm.s32 @!p0 $0x0  }
0x12: {  	s1 =	sld [smem:$0x3F9D];
	s0 =	simm.s32 @p0 $0x1  }
0x13: {  	[smem:$0x3FB8] =	sst s0;
	s0 =	simm.s32 @!p1 $0x0  }
0x14: {  	s2 =	sld [smem:$0x3F9C];
	s0 =	simm.s32 @p1 $0x1  }
0x15: {  	[smem:$0x3FB9] =	sst s0;
	s0 =	simm.s32 @!p2 $0x0  }
0x16: {  	s3 =	sld [smem:$0x3FDB];
	s0 =	simm.s32 @p2 $0x1  }
0x17: {  	s4 =	simm.s32 $0x1BF5;
	[smem:$0x3FBB] =	sst s0  }
0x18: {  	s0 =	sld [smem:$0x3F9E];
	_ =	swait.ge [sflag:s4], $0x0  }
0x19: {  	s7 =	sld [smem:$0x3F9F]  }
0x1a: {  	s8 =	sadd.s32 $0xFFFFE003, lr  }
0x1b: {  	s9 =	sadd.s32 $0xFFFFFEF7, lr;
	s5 =	simm.s32 $0xFFFFFFFF;
	p2 =	slt.u32 s8, $0xFFFFF086  }
0x1c: {  	p1 =	slt.u32 s9, $0xF7A;
	s5 =	simm.s32 @!p2 $0x0  }
0x1d: {  	s5 =	simm.s32 @p1 $0x1;
	p0 =	seq.s32 s7, s2  }
0x1e: {  	s7 =	smul.u32 @!p0 $0xF7A, s2;
	p2 =	seq.s32 @!p0 s5, $0x0  }
0x1f: {  	s9 =	smul.u32 $0xF7A, s1;
	s8 =	simm.s32 @!p0 $0x1BF5;
	p2 =	por !p2, p0  }
0x20: {  	[sflag:s8] =	ssyncset.s32 @!p0 $0xFFFFF086;
	s6 =	sadd.s32 @!p0 s3, s7;
	s7 =	simm.s32 @!p0 $0x108  }
0x21: {  	s3 =	sadd.s32 s3, s9;
	s6 =	sadd.s32 @!p0 $0x88, s6;
	s7 =	simm.s32 @p2 $0x1082  }
0x22: {  	[simem:s7], [sflag:s8] =	dma.local @!p0 [hbm:s6], $0xF7A  }
0x23: {  	s9 =	sor.u32 $0xD0000000, s2;
	s6 =	simm.s32 $0x108;
	_ =	swait.ge @!p0 [sflag:s8], $0x0  }
0x24: {  	s3 =	sadd.s32 $0x88, s3;
	s6 =	simm.s32 @!p1 $0x1082;
	[sflag:s4] =	ssyncset.s32 $0xFFFFF086  }
0x25: {  	[simem:s6], [sflag:s4] =	dma.local [hbm:s3], $0xF7A  }
0x26: {  	[smem:$0x3F9F] =	sst s1;
	(tag) =	ssettag s2;
	_ =	strace s9  }
0x27: {  	s1 =	sld [smem:$0x3FAF]  }
0x28: {  	s2 =	sld [smem:$0x3FB0]  }
0x29: {  	s4 =	sld [smem:$0x3FB2]  }
0x2a: {  	p0 =	seq.s32 s5, $0x0;
	s5 =	sld [smem:$0x3FB3]  }
0x2b: {  	s6 =	sld [smem:$0x3FB4]  }
0x2c: {  	s7 =	sld [smem:$0x3FB5]  }
0x2d: {  	s3 =	simm.s32 $0x108;
	s8 =	sld [smem:$0x3FB6]  }
0x2e: {  	s3 =	simm.s32 @!p0 $0x1082;
	s9 =	sld [smem:$0x3FB7]  }
0x2f: {  	lr =	sadd.s32 s0, s3;
	s0 =	sld [smem:$0x3FAE]  }
0x30: {  	s3 =	sld [smem:$0x3FB1]  }
0x31: {  	[smem:$0x3FBA] =	sst s10  }
0x32: {  	s10 =	sld [smem:$0x3FB8];
	_ =	sdelay $0x3  }
0x33: {  	p0 =	seq.s32 s10, $0x1;
	s10 =	sld [smem:$0x3FBA];
	_ =	sdelay $0x3  }
0x34: {  	[smem:$0x3FBA] =	sst s10  }
0x35: {  	s10 =	sld [smem:$0x3FB9];
	_ =	sdelay $0x3  }
0x36: {  	p1 =	seq.s32 s10, $0x1;
	s10 =	sld [smem:$0x3FBA];
	_ =	sdelay $0x3  }
0x37: {  	[smem:$0x3FBA] =	sst s10  }
0x38: {  	s10 =	sld [smem:$0x3FBB]  }
0x39: {  	_ = 	snop;
	(pc) =	sbr.ind lr, $3  }
0x3a: {  	_ = 	snop  }
0x3b: {  	_ = 	snop  }
0x3c: {  	p2 =	seq.s32 s10, $0x1;
	s10 =	sld [smem:$0x3FBA]  }
0x3d: {  	_ =	shalt  }
0x3e: {  	_ =	shalt  }
0x3f: {  	_ =	shalt  }
0x40: {  	_ =	shalt  }
0x41: {  	_ =	shalt  }
0x42: {  	_ =	shalt  }
0x43: {  	_ =	shalt  }
0x44: {  	_ =	shalt  }
0x45: {  	_ =	shalt  }
0x46: {  	_ =	shalt  }
0x47: {  	_ =	shalt  }
0x48: {  	_ =	shalt  }
0x49: {  	_ =	shalt  }
0x4a: {  	_ =	shalt  }
0x4b: {  	_ =	shalt  }
0x4c: {  	_ =	shalt  }
0x4d: {  	_ =	shalt  }
0x4e: {  	_ =	shalt  }
0x4f: {  	_ =	shalt  }
0x50: {  	_ =	shalt  }
0x51: {  	_ =	shalt  }
0x52: {  	_ =	shalt  }
0x53: {  	_ =	shalt  }
0x54: {  	_ =	shalt  }
0x55: {  	_ =	shalt  }
0x56: {  	_ =	shalt  }
0x57: {  	_ =	shalt  }
0x58: {  	_ =	shalt  }
0x59: {  	_ =	shalt  }
0x5a: {  	_ =	shalt  }
0x5b: {  	_ =	shalt  }
0x5c: {  	_ =	shalt  }
0x5d: {  	_ =	shalt  }
0x5e: {  	_ =	shalt  }
0x5f: {  	_ =	shalt  }
0x60: {  	_ =	shalt  }
0x61: {  	_ =	shalt  }
0x62: {  	_ =	shalt  }
0x63: {  	_ =	shalt  }
0x64: {  	_ =	shalt  }
0x65: {  	_ =	shalt  }
0x66: {  	_ =	shalt  }
0x67: {  	_ =	shalt  }
0x68: {  	_ =	shalt  }
0x69: {  	_ =	shalt  }
0x6a: {  	_ =	shalt  }
0x6b: {  	_ =	shalt  }
0x6c: {  	_ =	shalt  }
0x6d: {  	_ =	shalt  }
0x6e: {  	_ =	shalt  }
0x6f: {  	_ =	shalt  }
0x70: {  	_ =	shalt  }
0x71: {  	_ =	shalt  }
0x72: {  	_ =	shalt  }
0x73: {  	_ =	shalt  }
0x74: {  	_ =	shalt  }
0x75: {  	_ =	shalt  }
0x76: {  	_ =	shalt  }
0x77: {  	_ =	shalt  }
0x78: {  	_ =	shalt  }
0x79: {  	_ =	shalt  }
0x7a: {  	_ =	shalt  }
0x7b: {  	_ =	shalt  }
0x7c: {  	_ =	shalt  }
0x7d: {  	_ =	shalt  }
0x7e: {  	_ =	shalt  }
0x7f: {  	_ =	shalt  }
0x80: {  	_ =	shalt  }
0x81: {  	_ =	shalt  }
0x82: {  	_ =	shalt  }
0x83: {  	_ =	shalt  }
0x84: {  	_ =	shalt  }
0x85: {  	_ =	shalt  }
0x86: {  	_ =	shalt  }
0x87: {  	_ =	shalt  }
.Lfunc_end0:
.L_simem_size_0:
called_computation_lowered:
.L_overlay_start_0:
0x88: {  	s2 =	sld [smem:$0x3FD9]  }
0x89: {  	s3 =	sld [smem:$0x3FFE];
	_ =	sdelay $0x1  }
0x8a: {  	s1 =	srdreg.scid  }
0x8b: {  	s0 =	sand.u32 $0x1, s1  }
0x8c: {  	s17 =	sshll.u32 s0, $0xA;
	s2 =	sadd.s32 s3, s2  }
0x8d: {  	s2 =	sadd.s32 s2, s17  }
0x8e: {  	[smem:$0x3FC6] =	sst s2  }
0x8f: {  	_ = 	snop  }
0x90: {  	s2 =	sld [smem:$0x3FC8]  }
0x91: {  	s18 =	sld [smem:$0x3FD0];
	(tm) =	ssettm $0x1  }
0x92: {  	s4 =	sld [smem:$0x3FFB];
	_ =	sdelay $0x3  }
0x93: {  	_ =	strace s4  }
0x94: {  	s4 =	sld [smem:$0x3FFC];
	_ =	sdelay $0x3  }
0x95: {  	_ =	strace s4  }
0x96: {  	s4 =	sld [smem:$0x3FFD];
	_ =	sdelay $0x3  }
0x97: {  	_ =	strace s4  }
0x98: {  	_ =	strace $0x8FFFFFFF  }
0x99: {  	s19 =	sld [smem:$0x3FDB];
	_ =	sdelay $0x1  }
0x9a: {  	s5 =	simm.s32 $_scs_section_size  }
0x9b: {  	s6 =	simm.s32 $_size__tile_overlayer_lowered;
	s7 =	simm.s32 $_tile_overlayer_lowered  }
0x9c: {  	s22 =	simm.s32 $0x1BFF;
	s21 =	sshll.u32 s7, $0x1;
	s4 =	sadd.s32 s5, s19  }
0x9d: {  	s8 =	simm.s32 $0x0;
	s20 =	sshll.u32 s6, $0x1;
	s6 =	sadd.s32 s21, s4  }
0x9e: {  	[timem:s8], [sflag:s22] =	dma.local [hbm:s6], s20  }
0x9f: {  	_ =	swait.ge [sflag:s22], s20  }
0xa0: {  	s5 =	ssub.s32 $0x0, s20;
	[sflag:s22] =	ssyncset.done $0x0  }
0xa1: {  	[sflag:s22] =	ssyncadd.s32 s5;
	_ =	sdelay $0x1  }
0xa2: {  	s23 =	simm.s32 $0x1B8B  }
0xa3: {  	_ =	swait.ge [sflag:s23], $0x1  }
0xa4: {  	[sflag:s23] =	ssyncset.done $0x0  }
0xa5: {  	s25 =	simm.s32 $0x1B8E;
	s24 =	sld [smem:$0x3FFE];
	[sflag:s23] =	ssyncadd.s32 $0xFFFFFFFF  }
0xa6: {  	s26 =	simm.s32 $execute0_lowered;
	[smem:$0x3FD2] =	sst s25  }
0xa7: {  	s6 =	sshll.u32 s26, $0x1;
	_ =	strace $0x80000046;
	[dreg:$0x1] =	wrdreg $0xFFFFFFFF  }
0xa8: {  	s28 =	simm.s32 $_size_execute0_lowered;
	s4 =	sadd.s32 s4, s6;
	[dreg:$0x0] =	wrdreg $0x0  }
0xa9: {  	s6 =	sshll.u32 s28, $0x1;
	[dreg:$0x2] =	wrdreg s4  }
0xaa: {  	[dreg:$0x3] =	wrdreg s6  }
0xab: {  	[dreg:$0x4] =	wrdreg $0xC0  }
0xac: {  	_ =	task [dreg:s8], $0x5FFFF  }
0xad: {  	[dreg:$0x1] =	wrdreg $0xFFFFFFFF  }
0xae: {  	[dreg:$0x0] =	wrdreg $0x60  }
0xaf: {  	[dreg:$0x2] =	wrdreg s24  }
0xb0: {  	[dreg:$0x3] =	wrdreg s2  }
0xb1: {  	[dreg:$0x4] =	wrdreg s18  }
0xb2: {  	[dreg:$0x5] =	wrdreg $0x9  }
0xb3: {  	_ =	task.clear_ibuf [dreg:s8], $0x6FFFF;
	_ =	strace $0x90000046  }
0xb4: {  	s29 =	simm.s32 $0x9;
	_ =	strace $0x80000048  }
0xb5: {  	_ =	swait.ge [sflag:s29], $0x1  }
0xb6: {  	[sflag:s29] =	ssyncadd.s32 $0xFFFFFFFF  }
0xb7: {  	_ =	strace $0x90000048  }
0xb8: {  	_ =	sfence  }
0xb9: {  	s30 =	sld [smem:$0x0];
	_ =	sdelay $0x2  }
0xba: {  	s31 =	sshll.u32 s1, $0xD;
	s1 =	sshrl.u32 s1, $0x2  }
0xbb: {  	s3 =	sand.u32 $0x4000, s31;
	s1 =	sadd.s32 s1, s30  }
0xbc: {  	s0 =	sor.u32 s3, s0;
	s1 =	sshll.u32 s1, $0x11  }
0xbd: {  	s0 =	sor.u32 s1, s0  }
0xbe: {  	s0 =	sadd.s32 $0x8F2B, s0  }
0xbf: {  	[sflag:s0] =	ssyncadd.remote.s32 $0x1  }
0xc0: {  	_ =	sfence.sel $0xFFFF  }
0xc1: {  	[dreg:$0x0] =	wrdreg $0xFFFFFFFF;
	(pc) =	sbr.abs _section_cstart, $3  }
0xc2: {  	[dreg:$0x1] =	wrdreg $0xFFFFFFFF  }
0xc3: {  	_ =	task.clear_ibuf [dreg:s8], $0x2FFFF;
	_ =	strace $0x9FFFFFFF  }
0xc4: {  	(tm) =	ssettm $0x7FFFFFFF  }
0xc5: {  	_ =	shalt  }
tec
execute0_lowered:
.L_overlay_start_1:
0x0: {  	(tag) =	ssettag $0x1  }
0x1: {  	s1 =	rddreg [dreg:$0x0]  }
0x2: {  	s3 =	srdreg.scid;
	s2 =	rddreg [dreg:$0x1]  }
0x3: {  	s4 =	rddreg [dreg:$0x2];
	s5 =	sand.u32 $0x1, s3;
	s3 =	simm.s32 $0x0  }
0x4: {  	s24 =	simm.s32 $0x8C00;
	[smem:$0x7FF] =	sst s3  }
0x5: {  	s25 =	simm.s32 $0x9400;
	_ =	strace $0x80000047;
	[dreg:$0xc] =	wrdreg s24  }
0x6: {  	s0 =	stileid.u32;
	s26 =	simm.s32 $0x9C00;
	[dreg:$0xd] =	wrdreg s25  }
0x7: {  	s28 =	simm.s32 $0xA400;
	s8 =	simm.s32 $0xB400;
	[dreg:$0xe] =	wrdreg s26  }
0x8: {  	s9 =	simm.s32 $0xBC00;
	s10 =	simm.s32 $0xCC00;
	[dreg:$0xf] =	wrdreg s28  }
0x9: {  	s11 =	simm.s32 $0xD400;
	s12 =	simm.s32 $0xDC00;
	[dreg:$0x11] =	wrdreg s8  }
0xa: {  	s13 =	simm.s32 $0xE400;
	s14 =	simm.s32 $0xEC00;
	[dreg:$0x12] =	wrdreg s9  }
0xb: {  	s15 =	simm.s32 $0xF400;
	s29 =	simm.s32 $0x17400;
	[dreg:$0x13] =	wrdreg s10  }
0xc: {  	s30 =	simm.s32 $0x17C00;
	s16 =	sshll.u32 s0, $0x1;
	[dreg:$0x14] =	wrdreg s11  }
0xd: {  	s31 =	simm.s32 $0x1;
	s6 =	sor.u32 s5, s16;
	[dreg:$0x15] =	wrdreg s12  }
0xe: {  	s5 =	ssub.s32 $0x2, s5;
	s16 =	simm.s32 $0xFC00;
	[dreg:$0x16] =	wrdreg s13  }
0xf: {  	s7 =	sshll.u32 s6, $0x7;
	s6 =	sshll.u32 s6, $0xE;
	[dreg:$0x17] =	wrdreg s14  }
0x10: {  	s0 =	sshrl.u32 s5, $0x1;
	s8 =	simm.s32 $0xC00;
	[dreg:$0x18] =	wrdreg s15  }
0x11: {  	s9 =	simm.s32 $0x1400;
	[dreg:$0x19] =	wrdreg s16;
	s24 =	simm.s32 $0x14C00  }
0x12: {  	s10 =	simm.s32 $0x1C00;
	s25 =	simm.s32 $0x15400;
	[smem:$0x7FA] =	sst s24  }
0x13: {  	s11 =	simm.s32 $0x2400;
	s26 =	simm.s32 $0x15C00;
	[smem:$0x7FB] =	sst s25  }
0x14: {  	s12 =	simm.s32 $0x2C00;
	s28 =	simm.s32 $0x16400;
	[smem:$0x7FC] =	sst s26  }
0x15: {  	s1 =	sadd.s32 s7, s1;
	s7 =	simm.s32 $0xAC00;
	[smem:$0x7FD] =	sst s28  }
0x16: {  	s4 =	sadd.s32 s4, s6;
	s1 =	sadd.s32 $0x400, s1;
	[dreg:$0x10] =	wrdreg s7  }
0x17: {  	s13 =	simm.s32 $0x3400;
	s17 =	sadd.s32 $0x800, s4;
	[dreg:$0x4] =	wrdreg s1  }
0x18: {  	s14 =	simm.s32 $0x3C00;
	s18 =	sadd.s32 $0x1000, s4;
	[dreg:$0x5] =	wrdreg s17  }
0x19: {  	s15 =	simm.s32 $0x4400;
	s19 =	sadd.s32 $0x1800, s4;
	[dreg:$0x6] =	wrdreg s18  }
0x1a: {  	s16 =	simm.s32 $0x4C00;
	s20 =	sadd.s32 $0x2000, s4;
	[dreg:$0x7] =	wrdreg s19  }
0x1b: {  	s5 =	ssub.s32 s5, s0;
	s21 =	sadd.s32 $0x2800, s4;
	[dreg:$0x8] =	wrdreg s20  }
0x1c: {  	s6 =	simm.s32 $0x3;
	s22 =	sadd.s32 $0x3000, s4;
	[dreg:$0x9] =	wrdreg s21  }
0x1d: {  	s24 =	simm.s32 $0xC400;
	s23 =	sadd.s32 $0x3800, s4;
	[dreg:$0xa] =	wrdreg s22  }
0x1e: {  	s25 =	simm.s32 $0x10400;
	[dreg:$0xb] =	wrdreg s23;
	s17 =	simm.s32 $0x10C00  }
0x1f: {  	s26 =	simm.s32 $0x14400;
	s18 =	simm.s32 $0x11400;
	[dreg:$0x1a] =	wrdreg s17  }
0x20: {  	s5 =	smax.u32 s5, $0x1;
	s19 =	simm.s32 $0x11C00;
	[dreg:$0x1b] =	wrdreg s18  }
0x21: {  	s7 =	simm.s32 $0x400;
	s20 =	simm.s32 $0x12400;
	[dreg:$0x1c] =	wrdreg s19  }
0x22: {  	s21 =	simm.s32 $0x12C00;
	s22 =	simm.s32 $0x13400;
	[dreg:$0x1d] =	wrdreg s20  }
0x23: {  	s23 =	simm.s32 $0x13C00;
	s1 =	simm.s32 $0x2;
	[dreg:$0x1e] =	wrdreg s21  }
0x24: {  	v2 =	vlaneseq.u32;
	s17 =	simm.s32 $0x5400;
	s18 =	simm.s32 $0x5C00;
	[dreg:$0x1f] =	wrdreg s22  }
0x25: {  	vm0 =	vmmov $0xffff;
	v1 =	vshrl.u32 v2, $0x3;
	s19 =	simm.s32 $0x6400;
	s20 =	simm.s32 $0x6C00;
	[smem:$0x7F9] =	sst s23  }
0x26: {  	v0 =	vand.u32 $0x7, v2;
	v2 =	vor.u32 $0x8, v2;
	v1 =	vmul.u32 $0x8, v1;
	s21 =	simm.s32 $0x7400;
	s22 =	simm.s32 $0x7C00;
	s23 =	simm.s32 $0x8400  }
.LBB2_1:
0x27: {  	s0 =	rddreg [dreg:$0x4]  }
0x28: {  	[tilespmem:s3], [sflag:$0x3] =	stream.linear.gather [hbm4b:s0+s3], $0x400, $0x38;
	[tilespmem:$0x18400] =	vst v63  }
0x29: {  	_ =	swait.ge [sflag:s6], $0x400  }
0x2a: {  	[sflag:s6] =	ssyncset.done $0x0  }
0x2b: {  	[sflag:s6] =	ssyncadd.s32 $0xFFFFFC00  }
0x2c: {  	v3 =	vld [tilespmem:$0x0];
	_ =	sdelay $0x4  }
0x2d: {  	v4 =	vshll.u32 v3, $0x1  }
0x2e: {  	v3 =	vand.u32 $0x7, v3;
	v4 =	vand.u32 $0xFFFFFFF0, v4  }
0x2f: {  	v3 =	vor.u32 v3, v4  }
0x30: {  	v4 =	vperm.xlane v3, v0;
	_ =	sdelay $0x1  }
0x31: {  	v3 =	vperm.xlane v3, v2;
	v4 =	vadd.s32 v1, v4;
	_ =	sdelay $0x1  }
0x32: {  	v3 =	vadd.s32 v1, v3;
	_ =	sdelay $0x2  }
0x33: {  	[tilespmem:s7], [sflag:$0x1] =	stream.indirect_vreg.gather [hbm4b:s2+s3], $0x80, v4, vm0, $0xb8;
	[tilespmem:$0x18400] =	vst v63  }
0x34: {  	_ = 	snop  }
0x35: {  	[tilespmem:s8], [sflag:$0x1] =	stream.indirect_vreg.gather [hbm4b:s2+s3], $0x80, v3, vm0, $0xb8;
	[tilespmem:$0x18400] =	vst v63  }
0x36: {  	v3 =	vld [tilespmem:$0x10];
	_ =	sdelay $0x4  }
0x37: {  	v33 =	vshll.u32 v3, $0x1  }
0x38: {  	v3 =	vand.u32 $0x7, v3;
	v4 =	vand.u32 $0xFFFFFFF0, v33  }
0x39: {  	v3 =	vor.u32 v3, v4  }
0x3a: {  	v4 =	vperm.xlane v3, v0;
	_ =	sdelay $0x1  }
0x3b: {  	v3 =	vperm.xlane v3, v2;
	v4 =	vadd.s32 v1, v4;
	_ =	sdelay $0x1  }
0x3c: {  	v3 =	vadd.s32 v1, v3;
	_ =	sdelay $0x2  }
0x3d: {  	[tilespmem:s9], [sflag:$0x1] =	stream.indirect_vreg.gather [hbm4b:s2+s3], $0x80, v4, vm0, $0xb8;
	[tilespmem:$0x18400] =	vst v63  }
0x3e: {  	_ = 	snop  }
0x3f: {  	[tilespmem:s10], [sflag:$0x1] =	stream.indirect_vreg.gather [hbm4b:s2+s3], $0x80, v3, vm0, $0xb8;
	[tilespmem:$0x18400] =	vst v63  }
0x40: {  	v3 =	vld [tilespmem:$0x20];
	_ =	sdelay $0x4  }
0x41: {  	v34 =	vshll.u32 v3, $0x1  }
0x42: {  	v3 =	vand.u32 $0x7, v3;
	v4 =	vand.u32 $0xFFFFFFF0, v34  }
0x43: {  	v3 =	vor.u32 v3, v4  }
0x44: {  	v4 =	vperm.xlane v3, v0;
	_ =	sdelay $0x1  }
0x45: {  	v3 =	vperm.xlane v3, v2;
	v4 =	vadd.s32 v1, v4;
	_ =	sdelay $0x1  }
0x46: {  	v3 =	vadd.s32 v1, v3;
	_ =	sdelay $0x2  }
0x47: {  	[tilespmem:s11], [sflag:$0x1] =	stream.indirect_vreg.gather [hbm4b:s2+s3], $0x80, v4, vm0, $0xb8;
	[tilespmem:$0x18400] =	vst v63  }
0x48: {  	_ = 	snop  }
0x49: {  	[tilespmem:s12], [sflag:$0x1] =	stream.indirect_vreg.gather [hbm4b:s2+s3], $0x80, v3, vm0, $0xb8;
	[tilespmem:$0x18400] =	vst v63  }
0x4a: {  	v3 =	vld [tilespmem:$0x30];
	_ =	sdelay $0x4  }
0x4b: {  	v35 =	vshll.u32 v3, $0x1  }
0x4c: {  	v3 =	vand.u32 $0x7, v3;
	v4 =	vand.u32 $0xFFFFFFF0, v35  }
0x4d: {  	v3 =	vor.u32 v3, v4  }
0x4e: {  	v4 =	vperm.xlane v3, v0;
	_ =	sdelay $0x1  }
0x4f: {  	v3 =	vperm.xlane v3, v2;
	v4 =	vadd.s32 v1, v4;
	_ =	sdelay $0x1  }
0x50: {  	v3 =	vadd.s32 v1, v3;
	_ =	sdelay $0x2  }
0x51: {  	[tilespmem:s13], [sflag:$0x1] =	stream.indirect_vreg.gather [hbm4b:s2+s3], $0x80, v4, vm0, $0xb8;
	[tilespmem:$0x18400] =	vst v63  }
0x52: {  	_ = 	snop  }
0x53: {  	[tilespmem:s14], [sflag:$0x1] =	stream.indirect_vreg.gather [hbm4b:s2+s3], $0x80, v3, vm0, $0xb8;
	[tilespmem:$0x18400] =	vst v63  }
0x54: {  	v3 =	vld [tilespmem:$0x80];
	_ =	sdelay $0x4  }
0x55: {  	v36 =	vshll.u32 v3, $0x1  }
0x56: {  	v3 =	vand.u32 $0x7, v3;
	v4 =	vand.u32 $0xFFFFFFF0, v36  }
0x57: {  	v3 =	vor.u32 v3, v4  }
0x58: {  	v4 =	vperm.xlane v3, v0;
	_ =	sdelay $0x1  }
0x59: {  	v3 =	vperm.xlane v3, v2;
	v4 =	vadd.s32 v1, v4;
	_ =	sdelay $0x1  }
0x5a: {  	v3 =	vadd.s32 v1, v3;
	_ =	sdelay $0x2  }
0x5b: {  	[tilespmem:s15], [sflag:$0x1] =	stream.indirect_vreg.gather [hbm4b:s2+s3], $0x80, v4, vm0, $0xb8;
	[tilespmem:$0x18400] =	vst v63  }
0x5c: {  	_ = 	snop  }
0x5d: {  	[tilespmem:s16], [sflag:$0x1] =	stream.indirect_vreg.gather [hbm4b:s2+s3], $0x80, v3, vm0, $0xb8;
	[tilespmem:$0x18400] =	vst v63  }
0x5e: {  	v3 =	vld [tilespmem:$0x90];
	_ =	sdelay $0x4  }
0x5f: {  	v37 =	vshll.u32 v3, $0x1  }
0x60: {  	v3 =	vand.u32 $0x7, v3;
	v4 =	vand.u32 $0xFFFFFFF0, v37  }
0x61: {  	v3 =	vor.u32 v3, v4  }
0x62: {  	v4 =	vperm.xlane v3, v0;
	_ =	sdelay $0x1  }
0x63: {  	v3 =	vperm.xlane v3, v2;
	v4 =	vadd.s32 v1, v4;
	_ =	sdelay $0x1  }
0x64: {  	v3 =	vadd.s32 v1, v3;
	_ =	sdelay $0x2  }
0x65: {  	[tilespmem:s17], [sflag:$0x1] =	stream.indirect_vreg.gather [hbm4b:s2+s3], $0x80, v4, vm0, $0xb8;
	[tilespmem:$0x18400] =	vst v63  }
0x66: {  	_ = 	snop  }
0x67: {  	[tilespmem:s18], [sflag:$0x1] =	stream.indirect_vreg.gather [hbm4b:s2+s3], $0x80, v3, vm0, $0xb8;
	[tilespmem:$0x18400] =	vst v63  }
0x68: {  	v3 =	vld [tilespmem:$0xA0];
	_ =	sdelay $0x4  }
0x69: {  	v38 =	vshll.u32 v3, $0x1  }
0x6a: {  	v3 =	vand.u32 $0x7, v3;
	v4 =	vand.u32 $0xFFFFFFF0, v38  }
0x6b: {  	v3 =	vor.u32 v3, v4  }
0x6c: {  	v4 =	vperm.xlane v3, v0;
	_ =	sdelay $0x1  }
0x6d: {  	v3 =	vperm.xlane v3, v2;
	v4 =	vadd.s32 v1, v4;
	_ =	sdelay $0x1  }
0x6e: {  	v3 =	vadd.s32 v1, v3;
	_ =	sdelay $0x2  }
0x6f: {  	[tilespmem:s19], [sflag:$0x1] =	stream.indirect_vreg.gather [hbm4b:s2+s3], $0x80, v4, vm0, $0xb8;
	[tilespmem:$0x18400] =	vst v63  }
0x70: {  	_ = 	snop  }
0x71: {  	[tilespmem:s20], [sflag:$0x1] =	stream.indirect_vreg.gather [hbm4b:s2+s3], $0x80, v3, vm0, $0xb8;
	[tilespmem:$0x18400] =	vst v63  }
0x72: {  	v3 =	vld [tilespmem:$0xB0];
	_ =	sdelay $0x4  }
0x73: {  	v39 =	vshll.u32 v3, $0x1  }
0x74: {  	v3 =	vand.u32 $0x7, v3;
	v4 =	vand.u32 $0xFFFFFFF0, v39  }
0x75: {  	v3 =	vor.u32 v3, v4  }
0x76: {  	v4 =	vperm.xlane v3, v0;
	_ =	sdelay $0x1  }
0x77: {  	v3 =	vperm.xlane v3, v2;
	v4 =	vadd.s32 v1, v4;
	_ =	sdelay $0x1  }
0x78: {  	v3 =	vadd.s32 v1, v3;
	_ =	sdelay $0x2  }
0x79: {  	[tilespmem:s21], [sflag:$0x1] =	stream.indirect_vreg.gather [hbm4b:s2+s3], $0x80, v4, vm0, $0xb8;
	[tilespmem:$0x18400] =	vst v63  }
0x7a: {  	_ = 	snop  }
0x7b: {  	[tilespmem:s22], [sflag:$0x1] =	stream.indirect_vreg.gather [hbm4b:s2+s3], $0x80, v3, vm0, $0xb8;
	[tilespmem:$0x18400] =	vst v63  }
0x7c: {  	v3 =	vld [tilespmem:$0x100];
	_ =	sdelay $0x4  }
0x7d: {  	v40 =	vshll.u32 v3, $0x1  }
0x7e: {  	v3 =	vand.u32 $0x7, v3;
	v4 =	vand.u32 $0xFFFFFFF0, v40  }
0x7f: {  	v3 =	vor.u32 v3, v4  }
0x80: {  	v4 =	vperm.xlane v3, v0;
	_ =	sdelay $0x1  }
0x81: {  	v3 =	vperm.xlane v3, v2;
	v4 =	vadd.s32 v1, v4;
	_ =	sdelay $0x1  }
0x82: {  	v3 =	vadd.s32 v1, v3;
	_ =	sdelay $0x2  }
0x83: {  	[tilespmem:s23], [sflag:$0x1] =	stream.indirect_vreg.gather [hbm4b:s2+s3], $0x80, v4, vm0, $0xb8;
	[tilespmem:$0x18400] =	vst v63  }
0x84: {  	s28 =	rddreg [dreg:$0xc]  }
0x85: {  	[tilespmem:s28], [sflag:$0x1] =	stream.indirect_vreg.gather [hbm4b:s2+s3], $0x80, v3, vm0, $0xb8;
	[tilespmem:$0x18400] =	vst v63  }
0x86: {  	v3 =	vld [tilespmem:$0x110];
	_ =	sdelay $0x4  }
0x87: {  	v41 =	vshll.u32 v3, $0x1  }
0x88: {  	v3 =	vand.u32 $0x7, v3;
	v4 =	vand.u32 $0xFFFFFFF0, v41  }
0x89: {  	v3 =	vor.u32 v3, v4  }
0x8a: {  	v4 =	vperm.xlane v3, v0;
	_ =	sdelay $0x1  }
0x8b: {  	v3 =	vperm.xlane v3, v2;
	v4 =	vadd.s32 v1, v4;
	_ =	sdelay $0x1  }
0x8c: {  	v3 =	vadd.s32 v1, v3;
	_ =	sdelay $0x1  }
0x8d: {  	s0 =	rddreg [dreg:$0xd]  }
0x8e: {  	[tilespmem:s0], [sflag:$0x1] =	stream.indirect_vreg.gather [hbm4b:s2+s3], $0x80, v4, vm0, $0xb8;
	[tilespmem:$0x18400] =	vst v63  }
0x8f: {  	s28 =	rddreg [dreg:$0xe]  }
0x90: {  	[tilespmem:s28], [sflag:$0x1] =	stream.indirect_vreg.gather [hbm4b:s2+s3], $0x80, v3, vm0, $0xb8;
	[tilespmem:$0x18400] =	vst v63  }
0x91: {  	v3 =	vld [tilespmem:$0x120];
	_ =	sdelay $0x4  }
0x92: {  	v42 =	vshll.u32 v3, $0x1  }
0x93: {  	v3 =	vand.u32 $0x7, v3;
	v4 =	vand.u32 $0xFFFFFFF0, v42  }
0x94: {  	v3 =	vor.u32 v3, v4  }
0x95: {  	v4 =	vperm.xlane v3, v0;
	_ =	sdelay $0x1  }
0x96: {  	v3 =	vperm.xlane v3, v2;
	v4 =	vadd.s32 v1, v4;
	_ =	sdelay $0x1  }
0x97: {  	v3 =	vadd.s32 v1, v3;
	_ =	sdelay $0x1  }
0x98: {  	s0 =	rddreg [dreg:$0xf]  }
0x99: {  	[tilespmem:s0], [sflag:$0x1] =	stream.indirect_vreg.gather [hbm4b:s2+s3], $0x80, v4, vm0, $0xb8;
	[tilespmem:$0x18400] =	vst v63  }
0x9a: {  	s28 =	rddreg [dreg:$0x10]  }
0x9b: {  	[tilespmem:s28], [sflag:$0x1] =	stream.indirect_vreg.gather [hbm4b:s2+s3], $0x80, v3, vm0, $0xb8;
	[tilespmem:$0x18400] =	vst v63  }
0x9c: {  	v3 =	vld [tilespmem:$0x130];
	_ =	sdelay $0x4  }
0x9d: {  	v43 =	vshll.u32 v3, $0x1  }
0x9e: {  	v3 =	vand.u32 $0x7, v3;
	v4 =	vand.u32 $0xFFFFFFF0, v43  }
0x9f: {  	v3 =	vor.u32 v3, v4  }
0xa0: {  	v4 =	vperm.xlane v3, v0;
	_ =	sdelay $0x1  }
0xa1: {  	v3 =	vperm.xlane v3, v2;
	v4 =	vadd.s32 v1, v4;
	_ =	sdelay $0x1  }
0xa2: {  	v3 =	vadd.s32 v1, v3;
	_ =	sdelay $0x1  }
0xa3: {  	s0 =	rddreg [dreg:$0x11]  }
0xa4: {  	[tilespmem:s0], [sflag:$0x1] =	stream.indirect_vreg.gather [hbm4b:s2+s3], $0x80, v4, vm0, $0xb8;
	[tilespmem:$0x18400] =	vst v63  }
0xa5: {  	s28 =	rddreg [dreg:$0x12]  }
0xa6: {  	[tilespmem:s28], [sflag:$0x1] =	stream.indirect_vreg.gather [hbm4b:s2+s3], $0x80, v3, vm0, $0xb8;
	[tilespmem:$0x18400] =	vst v63  }
0xa7: {  	v3 =	vld [tilespmem:$0x180];
	_ =	sdelay $0x4  }
0xa8: {  	v44 =	vshll.u32 v3, $0x1  }
0xa9: {  	v3 =	vand.u32 $0x7, v3;
	v4 =	vand.u32 $0xFFFFFFF0, v44  }
0xaa: {  	v3 =	vor.u32 v3, v4  }
0xab: {  	v4 =	vperm.xlane v3, v0;
	_ =	sdelay $0x1  }
0xac: {  	v3 =	vperm.xlane v3, v2;
	v4 =	vadd.s32 v1, v4;
	_ =	sdelay $0x1  }
0xad: {  	v3 =	vadd.s32 v1, v3;
	_ =	sdelay $0x2  }
0xae: {  	[tilespmem:s24], [sflag:$0x1] =	stream.indirect_vreg.gather [hbm4b:s2+s3], $0x80, v4, vm0, $0xb8;
	[tilespmem:$0x18400] =	vst v63  }
0xaf: {  	s28 =	rddreg [dreg:$0x13]  }
0xb0: {  	[tilespmem:s28], [sflag:$0x1] =	stream.indirect_vreg.gather [hbm4b:s2+s3], $0x80, v3, vm0, $0xb8;
	[tilespmem:$0x18400] =	vst v63  }
0xb1: {  	v3 =	vld [tilespmem:$0x190];
	_ =	sdelay $0x4  }
0xb2: {  	v45 =	vshll.u32 v3, $0x1  }
0xb3: {  	v3 =	vand.u32 $0x7, v3;
	v4 =	vand.u32 $0xFFFFFFF0, v45  }
0xb4: {  	v3 =	vor.u32 v3, v4  }
0xb5: {  	v4 =	vperm.xlane v3, v0;
	_ =	sdelay $0x1  }
0xb6: {  	v3 =	vperm.xlane v3, v2;
	v4 =	vadd.s32 v1, v4;
	_ =	sdelay $0x1  }
0xb7: {  	v3 =	vadd.s32 v1, v3;
	_ =	sdelay $0x1  }
0xb8: {  	s0 =	rddreg [dreg:$0x14]  }
0xb9: {  	[tilespmem:s0], [sflag:$0x1] =	stream.indirect_vreg.gather [hbm4b:s2+s3], $0x80, v4, vm0, $0xb8;
	[tilespmem:$0x18400] =	vst v63  }
0xba: {  	s28 =	rddreg [dreg:$0x15]  }
0xbb: {  	[tilespmem:s28], [sflag:$0x1] =	stream.indirect_vreg.gather [hbm4b:s2+s3], $0x80, v3, vm0, $0xb8;
	[tilespmem:$0x18400] =	vst v63  }
0xbc: {  	v3 =	vld [tilespmem:$0x1A0];
	_ =	sdelay $0x4  }
0xbd: {  	v46 =	vshll.u32 v3, $0x1  }
0xbe: {  	v3 =	vand.u32 $0x7, v3;
	v4 =	vand.u32 $0xFFFFFFF0, v46  }
0xbf: {  	v3 =	vor.u32 v3, v4  }
0xc0: {  	v4 =	vperm.xlane v3, v0;
	_ =	sdelay $0x1  }
0xc1: {  	v3 =	vperm.xlane v3, v2;
	v4 =	vadd.s32 v1, v4;
	_ =	sdelay $0x1  }
0xc2: {  	v3 =	vadd.s32 v1, v3;
	_ =	sdelay $0x1  }
0xc3: {  	s0 =	rddreg [dreg:$0x16]  }
0xc4: {  	[tilespmem:s0], [sflag:$0x1] =	stream.indirect_vreg.gather [hbm4b:s2+s3], $0x80, v4, vm0, $0xb8;
	[tilespmem:$0x18400] =	vst v63  }
0xc5: {  	s28 =	rddreg [dreg:$0x17]  }
0xc6: {  	[tilespmem:s28], [sflag:$0x1] =	stream.indirect_vreg.gather [hbm4b:s2+s3], $0x80, v3, vm0, $0xb8;
	[tilespmem:$0x18400] =	vst v63  }
0xc7: {  	v3 =	vld [tilespmem:$0x1B0];
	_ =	sdelay $0x4  }
0xc8: {  	v47 =	vshll.u32 v3, $0x1  }
0xc9: {  	v3 =	vand.u32 $0x7, v3;
	v4 =	vand.u32 $0xFFFFFFF0, v47  }
0xca: {  	v3 =	vor.u32 v3, v4  }
0xcb: {  	v4 =	vperm.xlane v3, v0;
	_ =	sdelay $0x1  }
0xcc: {  	v3 =	vperm.xlane v3, v2;
	v4 =	vadd.s32 v1, v4;
	_ =	sdelay $0x1  }
0xcd: {  	v3 =	vadd.s32 v1, v3;
	_ =	sdelay $0x1  }
0xce: {  	s0 =	rddreg [dreg:$0x18]  }
0xcf: {  	[tilespmem:s0], [sflag:$0x1] =	stream.indirect_vreg.gather [hbm4b:s2+s3], $0x80, v4, vm0, $0xb8;
	[tilespmem:$0x18400] =	vst v63  }
0xd0: {  	s28 =	rddreg [dreg:$0x19]  }
0xd1: {  	[tilespmem:s28], [sflag:$0x1] =	stream.indirect_vreg.gather [hbm4b:s2+s3], $0x80, v3, vm0, $0xb8;
	[tilespmem:$0x18400] =	vst v63  }
0xd2: {  	v3 =	vld [tilespmem:$0x200];
	_ =	sdelay $0x4  }
0xd3: {  	v48 =	vshll.u32 v3, $0x1  }
0xd4: {  	v3 =	vand.u32 $0x7, v3;
	v4 =	vand.u32 $0xFFFFFFF0, v48  }
0xd5: {  	v3 =	vor.u32 v3, v4  }
0xd6: {  	v4 =	vperm.xlane v3, v0;
	_ =	sdelay $0x1  }
0xd7: {  	v3 =	vperm.xlane v3, v2;
	v4 =	vadd.s32 v1, v4;
	_ =	sdelay $0x1  }
0xd8: {  	v3 =	vadd.s32 v1, v3;
	_ =	sdelay $0x2  }
0xd9: {  	[tilespmem:s25], [sflag:$0x1] =	stream.indirect_vreg.gather [hbm4b:s2+s3], $0x80, v4, vm0, $0xb8;
	[tilespmem:$0x18400] =	vst v63  }
0xda: {  	s28 =	rddreg [dreg:$0x1a]  }
0xdb: {  	[tilespmem:s28], [sflag:$0x1] =	stream.indirect_vreg.gather [hbm4b:s2+s3], $0x80, v3, vm0, $0xb8;
	[tilespmem:$0x18400] =	vst v63  }
0xdc: {  	v3 =	vld [tilespmem:$0x210];
	_ =	sdelay $0x4  }
0xdd: {  	v49 =	vshll.u32 v3, $0x1  }
0xde: {  	v3 =	vand.u32 $0x7, v3;
	v4 =	vand.u32 $0xFFFFFFF0, v49  }
0xdf: {  	v3 =	vor.u32 v3, v4  }
0xe0: {  	v4 =	vperm.xlane v3, v0;
	_ =	sdelay $0x1  }
0xe1: {  	v3 =	vperm.xlane v3, v2;
	v4 =	vadd.s32 v1, v4;
	_ =	sdelay $0x1  }
0xe2: {  	v3 =	vadd.s32 v1, v3;
	_ =	sdelay $0x1  }
0xe3: {  	s0 =	rddreg [dreg:$0x1b]  }
0xe4: {  	[tilespmem:s0], [sflag:$0x1] =	stream.indirect_vreg.gather [hbm4b:s2+s3], $0x80, v4, vm0, $0xb8;
	[tilespmem:$0x18400] =	vst v63  }
0xe5: {  	s28 =	rddreg [dreg:$0x1c]  }
0xe6: {  	[tilespmem:s28], [sflag:$0x1] =	stream.indirect_vreg.gather [hbm4b:s2+s3], $0x80, v3, vm0, $0xb8;
	[tilespmem:$0x18400] =	vst v63  }
0xe7: {  	v3 =	vld [tilespmem:$0x220];
	_ =	sdelay $0x4  }
0xe8: {  	v50 =	vshll.u32 v3, $0x1  }
0xe9: {  	v3 =	vand.u32 $0x7, v3;
	v4 =	vand.u32 $0xFFFFFFF0, v50  }
0xea: {  	v3 =	vor.u32 v3, v4  }
0xeb: {  	v4 =	vperm.xlane v3, v0;
	_ =	sdelay $0x1  }
0xec: {  	v3 =	vperm.xlane v3, v2;
	v4 =	vadd.s32 v1, v4;
	_ =	sdelay $0x1  }
0xed: {  	v3 =	vadd.s32 v1, v3;
	_ =	sdelay $0x1  }
0xee: {  	s0 =	rddreg [dreg:$0x1d]  }
0xef: {  	[tilespmem:s0], [sflag:$0x1] =	stream.indirect_vreg.gather [hbm4b:s2+s3], $0x80, v4, vm0, $0xb8;
	[tilespmem:$0x18400] =	vst v63  }
0xf0: {  	s28 =	rddreg [dreg:$0x1e]  }
0xf1: {  	[tilespmem:s28], [sflag:$0x1] =	stream.indirect_vreg.gather [hbm4b:s2+s3], $0x80, v3, vm0, $0xb8;
	[tilespmem:$0x18400] =	vst v63  }
0xf2: {  	v3 =	vld [tilespmem:$0x230];
	_ =	sdelay $0x4  }
0xf3: {  	v51 =	vshll.u32 v3, $0x1  }
0xf4: {  	v3 =	vand.u32 $0x7, v3;
	v4 =	vand.u32 $0xFFFFFFF0, v51  }
0xf5: {  	v3 =	vor.u32 v3, v4  }
0xf6: {  	v4 =	vperm.xlane v3, v0;
	_ =	sdelay $0x1  }
0xf7: {  	v3 =	vperm.xlane v3, v2;
	v4 =	vadd.s32 v1, v4;
	_ =	sdelay $0x1  }
0xf8: {  	v3 =	vadd.s32 v1, v3  }
0xf9: {  	s0 =	rddreg [dreg:$0x1f]  }
0xfa: {  	s28 =	sld [smem:$0x7F9]  }
0xfb: {  	[tilespmem:s0], [sflag:$0x1] =	stream.indirect_vreg.gather [hbm4b:s2+s3], $0x80, v4, vm0, $0xb8;
	[tilespmem:$0x18400] =	vst v63  }
0xfc: {  	_ = 	snop  }
0xfd: {  	[tilespmem:s28], [sflag:$0x1] =	stream.indirect_vreg.gather [hbm4b:s2+s3], $0x80, v3, vm0, $0xb8;
	[tilespmem:$0x18400] =	vst v63  }
0xfe: {  	v3 =	vld [tilespmem:$0x280];
	_ =	sdelay $0x4  }
0xff: {  	v52 =	vshll.u32 v3, $0x1  }
0x100: {  	v3 =	vand.u32 $0x7, v3;
	v4 =	vand.u32 $0xFFFFFFF0, v52  }
0x101: {  	v3 =	vor.u32 v3, v4  }
0x102: {  	v4 =	vperm.xlane v3, v0;
	_ =	sdelay $0x1  }
0x103: {  	v3 =	vperm.xlane v3, v2;
	v4 =	vadd.s32 v1, v4;
	_ =	sdelay $0x1  }
0x104: {  	v3 =	vadd.s32 v1, v3;
	_ =	sdelay $0x1  }
0x105: {  	s28 =	sld [smem:$0x7FA]  }
0x106: {  	[tilespmem:s26], [sflag:$0x1] =	stream.indirect_vreg.gather [hbm4b:s2+s3], $0x80, v4, vm0, $0xb8;
	[tilespmem:$0x18400] =	vst v63  }
0x107: {  	_ = 	snop  }
0x108: {  	[tilespmem:s28], [sflag:$0x1] =	stream.indirect_vreg.gather [hbm4b:s2+s3], $0x80, v3, vm0, $0xb8;
	[tilespmem:$0x18400] =	vst v63  }
0x109: {  	v3 =	vld [tilespmem:$0x290];
	_ =	sdelay $0x4  }
0x10a: {  	v53 =	vshll.u32 v3, $0x1  }
0x10b: {  	v3 =	vand.u32 $0x7, v3;
	v4 =	vand.u32 $0xFFFFFFF0, v53  }
0x10c: {  	v3 =	vor.u32 v3, v4  }
0x10d: {  	v4 =	vperm.xlane v3, v0;
	_ =	sdelay $0x1  }
0x10e: {  	v3 =	vperm.xlane v3, v2;
	v4 =	vadd.s32 v1, v4;
	_ =	sdelay $0x1  }
0x10f: {  	s0 =	sld [smem:$0x7FB];
	v3 =	vadd.s32 v1, v3;
	_ =	sdelay $0x1  }
0x110: {  	s28 =	sld [smem:$0x7FC]  }
0x111: {  	[tilespmem:s0], [sflag:$0x1] =	stream.indirect_vreg.gather [hbm4b:s2+s3], $0x80, v4, vm0, $0xb8;
	[tilespmem:$0x18400] =	vst v63  }
0x112: {  	_ = 	snop  }
0x113: {  	[tilespmem:s28], [sflag:$0x1] =	stream.indirect_vreg.gather [hbm4b:s2+s3], $0x80, v3, vm0, $0xb8;
	[tilespmem:$0x18400] =	vst v63  }
0x114: {  	v3 =	vld [tilespmem:$0x2A0];
	_ =	sdelay $0x4  }
0x115: {  	v54 =	vshll.u32 v3, $0x1  }
0x116: {  	v3 =	vand.u32 $0x7, v3;
	v4 =	vand.u32 $0xFFFFFFF0, v54  }
0x117: {  	v3 =	vor.u32 v3, v4  }
0x118: {  	v4 =	vperm.xlane v3, v0;
	_ =	sdelay $0x1  }
0x119: {  	v3 =	vperm.xlane v3, v2;
	v4 =	vadd.s32 v1, v4;
	_ =	sdelay $0x1  }
0x11a: {  	s28 =	sld [smem:$0x7FD];
	v3 =	vadd.s32 v1, v3;
	_ =	sdelay $0x2  }
0x11b: {  	[tilespmem:s28], [sflag:$0x1] =	stream.indirect_vreg.gather [hbm4b:s2+s3], $0x80, v4, vm0, $0xb8;
	[tilespmem:$0x18400] =	vst v63  }
0x11c: {  	s28 =	simm.s32 $0x16C00  }
0x11d: {  	[tilespmem:s28], [sflag:$0x1] =	stream.indirect_vreg.gather [hbm4b:s2+s3], $0x80, v3, vm0, $0xb8;
	[tilespmem:$0x18400] =	vst v63  }
0x11e: {  	v3 =	vld [tilespmem:$0x2B0];
	_ =	sdelay $0x4  }
0x11f: {  	v55 =	vshll.u32 v3, $0x1  }
0x120: {  	v3 =	vand.u32 $0x7, v3;
	v4 =	vand.u32 $0xFFFFFFF0, v55  }
0x121: {  	v3 =	vor.u32 v3, v4  }
0x122: {  	v4 =	vperm.xlane v3, v0;
	_ =	sdelay $0x1  }
0x123: {  	v3 =	vperm.xlane v3, v2;
	v4 =	vadd.s32 v1, v4;
	_ =	sdelay $0x1  }
0x124: {  	v3 =	vadd.s32 v1, v3;
	_ =	sdelay $0x2  }
0x125: {  	[tilespmem:s29], [sflag:$0x1] =	stream.indirect_vreg.gather [hbm4b:s2+s3], $0x80, v4, vm0, $0xb8;
	[tilespmem:$0x18400] =	vst v63  }
0x126: {  	_ = 	snop  }
0x127: {  	[tilespmem:s30], [sflag:$0x1] =	stream.indirect_vreg.gather [hbm4b:s2+s3], $0x80, v3, vm0, $0xb8;
	[tilespmem:$0x18400] =	vst v63  }
0x128: {  	_ =	swait.ge [sflag:s31], $0x4000  }
0x129: {  	[sflag:s31] =	ssyncset.done $0x0  }
0x12a: {  	[sflag:s31] =	ssyncadd.s32 $0xFFFFC000  }
0x12b: {  	[hbm4b:s4+s3] =	stream.linear.scatter [tilespmem:s7], [sflag:$0x2], $0x4000, $0x38;
	[tilespmem:$0x18400] =	vst v63  }
0x12c: {  	_ =	swait.ge [sflag:s31], $0x4000  }
0x12d: {  	[sflag:s31] =	ssyncset.done $0x0  }
0x12e: {  	s28 =	rddreg [dreg:$0x5];
	[sflag:s31] =	ssyncadd.s32 $0xFFFFC000  }
0x12f: {  	[hbm4b:s28+s3] =	stream.linear.scatter [tilespmem:s15], [sflag:$0x2], $0x4000, $0x38;
	[tilespmem:$0x18400] =	vst v63  }
0x130: {  	_ =	swait.ge [sflag:s31], $0x4000  }
0x131: {  	[sflag:s31] =	ssyncset.done $0x0  }
0x132: {  	s28 =	rddreg [dreg:$0x6];
	[sflag:s31] =	ssyncadd.s32 $0xFFFFC000  }
0x133: {  	[hbm4b:s28+s3] =	stream.linear.scatter [tilespmem:s23], [sflag:$0x2], $0x4000, $0x38;
	[tilespmem:$0x18400] =	vst v63  }
0x134: {  	_ =	swait.ge [sflag:s31], $0x4000  }
0x135: {  	[sflag:s31] =	ssyncset.done $0x0  }
0x136: {  	s28 =	rddreg [dreg:$0x7];
	[sflag:s31] =	ssyncadd.s32 $0xFFFFC000  }
0x137: {  	[hbm4b:s28+s3] =	stream.linear.scatter [tilespmem:s24], [sflag:$0x2], $0x4000, $0x38;
	[tilespmem:$0x18400] =	vst v63  }
0x138: {  	_ =	swait.ge [sflag:s31], $0x4000  }
0x139: {  	[sflag:s31] =	ssyncset.done $0x0  }
0x13a: {  	s28 =	rddreg [dreg:$0x8];
	[sflag:s31] =	ssyncadd.s32 $0xFFFFC000  }
0x13b: {  	[hbm4b:s28+s3] =	stream.linear.scatter [tilespmem:s25], [sflag:$0x2], $0x4000, $0x38;
	[tilespmem:$0x18400] =	vst v63  }
0x13c: {  	_ =	swait.ge [sflag:s31], $0x4000  }
0x13d: {  	[sflag:s31] =	ssyncset.done $0x0  }
0x13e: {  	s28 =	rddreg [dreg:$0x9];
	[sflag:s31] =	ssyncadd.s32 $0xFFFFC000  }
0x13f: {  	[hbm4b:s28+s3] =	stream.linear.scatter [tilespmem:s26], [sflag:$0x2], $0x4000, $0x38;
	[tilespmem:$0x18400] =	vst v63  }
0x140: {  	_ =	swait.ge [sflag:s1], $0x4000  }
0x141: {  	[sflag:s1] =	ssyncset.done $0x0  }
0x142: {  	[sflag:s1] =	ssyncadd.s32 $0xFFFFC000  }
0x143: {  	v3 =	vld [tilespmem:$0x300];
	_ =	sdelay $0x4  }
0x144: {  	v56 =	vshll.u32 v3, $0x1  }
0x145: {  	v3 =	vand.u32 $0x7, v3;
	v4 =	vand.u32 $0xFFFFFFF0, v56  }
0x146: {  	v3 =	vor.u32 v3, v4  }
0x147: {  	v4 =	vperm.xlane v3, v0;
	_ =	sdelay $0x1  }
0x148: {  	v3 =	vperm.xlane v3, v2;
	v4 =	vadd.s32 v1, v4;
	_ =	sdelay $0x1  }
0x149: {  	v3 =	vadd.s32 v1, v3;
	_ =	sdelay $0x2  }
0x14a: {  	[tilespmem:s7], [sflag:$0x1] =	stream.indirect_vreg.gather [hbm4b:s2+s3], $0x80, v4, vm0, $0xb8;
	[tilespmem:$0x18400] =	vst v63  }
0x14b: {  	_ = 	snop  }
0x14c: {  	[tilespmem:s8], [sflag:$0x1] =	stream.indirect_vreg.gather [hbm4b:s2+s3], $0x80, v3, vm0, $0xb8;
	[tilespmem:$0x18400] =	vst v63  }
0x14d: {  	v3 =	vld [tilespmem:$0x310];
	_ =	sdelay $0x4  }
0x14e: {  	v57 =	vshll.u32 v3, $0x1  }
0x14f: {  	v3 =	vand.u32 $0x7, v3;
	v4 =	vand.u32 $0xFFFFFFF0, v57  }
0x150: {  	v3 =	vor.u32 v3, v4  }
0x151: {  	v4 =	vperm.xlane v3, v0;
	_ =	sdelay $0x1  }
0x152: {  	v3 =	vperm.xlane v3, v2;
	v4 =	vadd.s32 v1, v4;
	_ =	sdelay $0x1  }
0x153: {  	v3 =	vadd.s32 v1, v3;
	_ =	sdelay $0x2  }
0x154: {  	[tilespmem:s9], [sflag:$0x1] =	stream.indirect_vreg.gather [hbm4b:s2+s3], $0x80, v4, vm0, $0xb8;
	[tilespmem:$0x18400] =	vst v63  }
0x155: {  	_ = 	snop  }
0x156: {  	[tilespmem:s10], [sflag:$0x1] =	stream.indirect_vreg.gather [hbm4b:s2+s3], $0x80, v3, vm0, $0xb8;
	[tilespmem:$0x18400] =	vst v63  }
0x157: {  	v3 =	vld [tilespmem:$0x320];
	_ =	sdelay $0x4  }
0x158: {  	v58 =	vshll.u32 v3, $0x1  }
0x159: {  	v3 =	vand.u32 $0x7, v3;
	v4 =	vand.u32 $0xFFFFFFF0, v58  }
0x15a: {  	v3 =	vor.u32 v3, v4  }
0x15b: {  	v4 =	vperm.xlane v3, v0;
	_ =	sdelay $0x1  }
0x15c: {  	v3 =	vperm.xlane v3, v2;
	v4 =	vadd.s32 v1, v4;
	_ =	sdelay $0x1  }
0x15d: {  	v3 =	vadd.s32 v1, v3;
	_ =	sdelay $0x2  }
0x15e: {  	[tilespmem:s11], [sflag:$0x1] =	stream.indirect_vreg.gather [hbm4b:s2+s3], $0x80, v4, vm0, $0xb8;
	[tilespmem:$0x18400] =	vst v63  }
0x15f: {  	_ = 	snop  }
0x160: {  	[tilespmem:s12], [sflag:$0x1] =	stream.indirect_vreg.gather [hbm4b:s2+s3], $0x80, v3, vm0, $0xb8;
	[tilespmem:$0x18400] =	vst v63  }
0x161: {  	v3 =	vld [tilespmem:$0x330];
	_ =	sdelay $0x4  }
0x162: {  	v59 =	vshll.u32 v3, $0x1  }
0x163: {  	v3 =	vand.u32 $0x7, v3;
	v4 =	vand.u32 $0xFFFFFFF0, v59  }
0x164: {  	v3 =	vor.u32 v3, v4  }
0x165: {  	v4 =	vperm.xlane v3, v0;
	_ =	sdelay $0x1  }
0x166: {  	v3 =	vperm.xlane v3, v2;
	v4 =	vadd.s32 v1, v4;
	_ =	sdelay $0x1  }
0x167: {  	v3 =	vadd.s32 v1, v3;
	_ =	sdelay $0x2  }
0x168: {  	[tilespmem:s13], [sflag:$0x1] =	stream.indirect_vreg.gather [hbm4b:s2+s3], $0x80, v4, vm0, $0xb8;
	[tilespmem:$0x18400] =	vst v63  }
0x169: {  	_ = 	snop  }
0x16a: {  	[tilespmem:s14], [sflag:$0x1] =	stream.indirect_vreg.gather [hbm4b:s2+s3], $0x80, v3, vm0, $0xb8;
	[tilespmem:$0x18400] =	vst v63  }
0x16b: {  	_ =	swait.ge [sflag:s31], $0x4000  }
0x16c: {  	[sflag:s31] =	ssyncset.done $0x0  }
0x16d: {  	s28 =	rddreg [dreg:$0xa];
	[sflag:s31] =	ssyncadd.s32 $0xFFFFC000  }
0x16e: {  	[hbm4b:s28+s3] =	stream.linear.scatter [tilespmem:s7], [sflag:$0x2], $0x4000, $0x38;
	[tilespmem:$0x18400] =	vst v63  }
0x16f: {  	_ =	swait.ge [sflag:s1], $0x4000  }
0x170: {  	[sflag:s1] =	ssyncset.done $0x0  }
0x171: {  	[sflag:s1] =	ssyncadd.s32 $0xFFFFC000  }
0x172: {  	v3 =	vld [tilespmem:$0x380];
	_ =	sdelay $0x4  }
0x173: {  	v60 =	vshll.u32 v3, $0x1  }
0x174: {  	v3 =	vand.u32 $0x7, v3;
	v4 =	vand.u32 $0xFFFFFFF0, v60  }
0x175: {  	v3 =	vor.u32 v3, v4  }
0x176: {  	v4 =	vperm.xlane v3, v0;
	_ =	sdelay $0x1  }
0x177: {  	v3 =	vperm.xlane v3, v2;
	v4 =	vadd.s32 v1, v4;
	_ =	sdelay $0x1  }
0x178: {  	v3 =	vadd.s32 v1, v3;
	_ =	sdelay $0x2  }
0x179: {  	[tilespmem:s15], [sflag:$0x1] =	stream.indirect_vreg.gather [hbm4b:s2+s3], $0x80, v4, vm0, $0xb8;
	[tilespmem:$0x18400] =	vst v63  }
0x17a: {  	_ = 	snop  }
0x17b: {  	[tilespmem:s16], [sflag:$0x1] =	stream.indirect_vreg.gather [hbm4b:s2+s3], $0x80, v3, vm0, $0xb8;
	[tilespmem:$0x18400] =	vst v63  }
0x17c: {  	v3 =	vld [tilespmem:$0x390];
	_ =	sdelay $0x4  }
0x17d: {  	v61 =	vshll.u32 v3, $0x1  }
0x17e: {  	v3 =	vand.u32 $0x7, v3;
	v4 =	vand.u32 $0xFFFFFFF0, v61  }
0x17f: {  	v3 =	vor.u32 v3, v4  }
0x180: {  	v4 =	vperm.xlane v3, v0;
	_ =	sdelay $0x1  }
0x181: {  	v3 =	vperm.xlane v3, v2;
	v4 =	vadd.s32 v1, v4;
	_ =	sdelay $0x1  }
0x182: {  	v3 =	vadd.s32 v1, v3;
	_ =	sdelay $0x2  }
0x183: {  	[tilespmem:s17], [sflag:$0x1] =	stream.indirect_vreg.gather [hbm4b:s2+s3], $0x80, v4, vm0, $0xb8;
	[tilespmem:$0x18400] =	vst v63  }
0x184: {  	_ = 	snop  }
0x185: {  	[tilespmem:s18], [sflag:$0x1] =	stream.indirect_vreg.gather [hbm4b:s2+s3], $0x80, v3, vm0, $0xb8;
	[tilespmem:$0x18400] =	vst v63  }
0x186: {  	v3 =	vld [tilespmem:$0x3A0];
	_ =	sdelay $0x4  }
0x187: {  	v62 =	vshll.u32 v3, $0x1  }
0x188: {  	v3 =	vand.u32 $0x7, v3;
	v4 =	vand.u32 $0xFFFFFFF0, v62  }
0x189: {  	v3 =	vor.u32 v3, v4  }
0x18a: {  	v4 =	vperm.xlane v3, v0;
	_ =	sdelay $0x1  }
0x18b: {  	v3 =	vperm.xlane v3, v2;
	v4 =	vadd.s32 v1, v4;
	_ =	sdelay $0x1  }
0x18c: {  	v3 =	vadd.s32 v1, v3;
	_ =	sdelay $0x2  }
0x18d: {  	[tilespmem:s19], [sflag:$0x1] =	stream.indirect_vreg.gather [hbm4b:s2+s3], $0x80, v4, vm0, $0xb8;
	[tilespmem:$0x18400] =	vst v63  }
0x18e: {  	_ = 	snop  }
0x18f: {  	[tilespmem:s20], [sflag:$0x1] =	stream.indirect_vreg.gather [hbm4b:s2+s3], $0x80, v3, vm0, $0xb8;
	[tilespmem:$0x18400] =	vst v63  }
0x190: {  	v3 =	vld [tilespmem:$0x3B0];
	_ =	sdelay $0x4  }
0x191: {  	v63 =	vshll.u32 v3, $0x1  }
0x192: {  	v3 =	vand.u32 $0x7, v3;
	v4 =	vand.u32 $0xFFFFFFF0, v63  }
0x193: {  	v3 =	vor.u32 v3, v4  }
0x194: {  	v4 =	vperm.xlane v3, v0;
	_ =	sdelay $0x1  }
0x195: {  	v3 =	vperm.xlane v3, v2;
	v4 =	vadd.s32 v1, v4;
	_ =	sdelay $0x1  }
0x196: {  	v3 =	vadd.s32 v1, v3;
	_ =	sdelay $0x2  }
0x197: {  	[tilespmem:s21], [sflag:$0x1] =	stream.indirect_vreg.gather [hbm4b:s2+s3], $0x80, v4, vm0, $0xb8;
	[tilespmem:$0x18400] =	vst v63  }
0x198: {  	_ = 	snop  }
0x199: {  	[tilespmem:s22], [sflag:$0x1] =	stream.indirect_vreg.gather [hbm4b:s2+s3], $0x80, v3, vm0, $0xb8;
	[tilespmem:$0x18400] =	vst v63  }
0x19a: {  	_ =	swait.ge [sflag:s31], $0x4000  }
0x19b: {  	[sflag:s31] =	ssyncset.done $0x0  }
0x19c: {  	s28 =	rddreg [dreg:$0xb];
	[sflag:s31] =	ssyncadd.s32 $0xFFFFC000  }
0x19d: {  	[hbm4b:s28+s3] =	stream.linear.scatter [tilespmem:s15], [sflag:$0x2], $0x4000, $0x38;
	[tilespmem:$0x18400] =	vst v63  }
0x19e: {  	_ =	swait.ge [sflag:s1], $0x4000  }
0x19f: {  	[sflag:s1] =	ssyncset.done $0x0  }
0x1a0: {  	[sflag:s1] =	ssyncadd.s32 $0xFFFFC000  }
0x1a1: {  	_ =	swait.ge [sflag:s1], $0x4000  }
0x1a2: {  	[sflag:s1] =	ssyncset.done $0x0  }
0x1a3: {  	[sflag:s1] =	ssyncadd.s32 $0xFFFFC000  }
0x1a4: {  	_ =	swait.ge [sflag:s1], $0x4000  }
0x1a5: {  	[sflag:s1] =	ssyncset.done $0x0  }
0x1a6: {  	[sflag:s1] =	ssyncadd.s32 $0xFFFFC000  }
0x1a7: {  	_ =	swait.ge [sflag:s1], $0x4000  }
0x1a8: {  	[sflag:s1] =	ssyncset.done $0x0  }
0x1a9: {  	[sflag:s1] =	ssyncadd.s32 $0xFFFFC000  }
0x1aa: {  	p0 =	sne.s32 s5, $0x1;
	_ =	swait.ge [sflag:s1], $0x4000  }
.Ltmp0:
0x1ab: {  	[sflag:s1] =	ssyncset.done $0x0;
	(pc) =	sbr.rel @p0 .LBB2_1-.Ltmp0, $4  }
0x1ac: {  	[sflag:s1] =	ssyncadd.s32 $0xFFFFC000  }
0x1ad: {  	_ =	swait.ge [sflag:s1], $0x4000  }
0x1ae: {  	[sflag:s1] =	ssyncset.done $0x0  }
0x1af: {  	s5 =	sadd.s32 $0xFFFFFFFF, s5;
	[sflag:s1] =	ssyncadd.s32 $0xFFFFC000  }
0x1b0: {  	_ =	sfence.sel $0x180000  }
0x1b1: {  	[bflag:$0x0] =	sbarrier.arrive $0xFFFF  }
0x1b2: {  	_ =	strace $0x90000047  }
0x1b3: {  	s0 =	stileid.u32;
	[bflag:$0x2] =	sbarrier.arrive $0xFFFF  }
0x1b4: {  	p0 =	sne.s32 s0, $0x0;
	s0 =	rddreg [dreg:$0x3]  }
0x1b5: {  	s0 =	sadd.s32 @!p0 $0x100000, s0  }
0x1b6: {  	[sflag:s0] =	ssyncadd.tile.s32 @!p0 $0x1;
	_ =	shalt  }
.Lfunc_end2:
_tile_overlayer_lowered:
.L_overlay_start_2:
0x1b7: {  	(tag) =	ssettag $0x2  }
0x1b8: {  	s0 =	rddreg [dreg:$0x0];
	s2 =	stileid.u32  }
0x1b9: {  	s1 =	rddreg [dreg:$0x1];
	p0 =	sne.s32 s2, $0x0  }
0x1ba: {  	s3 =	rddreg [dreg:$0x2];
	[bflag:$0x3] =	sbarrier.arrive $0xFFFF;
	s2 =	simm.s32 @!p0 $0x1C03  }
0x1bb: {  	[timem:s3], [sflag:s2] =	dma.local @!p0 [hbm:s0], s1  }
0x1bc: {  	s0 =	simm.s32 @!p0 $0x3  }
0x1bd: {  	_ =	swait.ge @!p0 [sflag:s0], s1  }
0x1be: {  	s1 =	ssub.s32 @!p0 $0x0, s1;
	[sflag:s0] =	ssyncset.done @!p0 $0x0  }
0x1bf: {  	[sflag:s0] =	ssyncadd.s32 @!p0 s1  }
0x1c0: {  	[bflag:$0x3] =	sbarrier.arrive $0xFFFF  }
0x1c1: {  	_ =	shalt  }

</sc_bundles>
